<compile_context>
chip_gen: v7x
topology: tpu7x:2x2x1
jax: 0.10.2.dev20260603
libtpu: 0.0.44.dev20260713+nightly
codegen_flags: <defaults>
</compile_context>

<pallas_src>
import functools

import jax
import jax.numpy as jnp
from jax import lax
from jax.experimental import pallas as pl
from jax.experimental.pallas import tpu as pltpu
from jax.experimental.pallas import tpu_sc as plsc

B = 16384
D = 64
NV = 1000000
NUM_CORES = 2
NUM_SUBCORES = 16
NW = NUM_CORES * NUM_SUBCORES
BPW = B // NW
CHUNK = 128
NCH = BPW // CHUNK
TC_BLK = 2048


def _gather_body(uids_hbm, iids_hbm, utab2_hbm, itab2_hbm,
                 uout2_hbm, iout2_hbm,
                 uidx_v, iidx_v, ubuf0, ibuf0, ubuf1, ibuf1,
                 sem_g0, sem_g1, sem_o):
    wid = lax.axis_index("s") * NUM_CORES + lax.axis_index("c")
    base = wid * BPW

    pltpu.sync_copy(uids_hbm.at[pl.ds(base, BPW)], uidx_v)
    pltpu.sync_copy(iids_hbm.at[pl.ds(base, BPW)], iidx_v)

    ubufs = (ubuf0, ubuf1)
    ibufs = (ibuf0, ibuf1)
    gsems = (sem_g0, sem_g1)

    def start_gather(c):
        slot = c % 2
        sl = pl.ds(c * CHUNK, CHUNK)
        cu = pltpu.async_copy(utab2_hbm.at[uidx_v.at[sl]], ubufs[slot], gsems[slot])
        ci = pltpu.async_copy(itab2_hbm.at[iidx_v.at[sl]], ibufs[slot], gsems[slot])
        return cu, ci

    pend = start_gather(0)
    prev_out = None
    for c in range(NCH):
        slot = c % 2
        cu, ci = pend
        cu.wait()
        ci.wait()
        if c + 1 < NCH:
            pend = start_gather(c + 1)
        if prev_out is not None:
            for cp in prev_out:
                cp.wait()
        hb = base + c * CHUNK
        prev_out = (
            pltpu.async_copy(ubufs[slot], uout2_hbm.at[pl.ds(hb, CHUNK)], sem_o),
            pltpu.async_copy(ibufs[slot], iout2_hbm.at[pl.ds(hb, CHUNK)], sem_o),
        )
    for cp in prev_out:
        cp.wait()


def _dot_body(u_ref, i_ref, o_ref):
    prod = u_ref[...] * i_ref[...]
    o_ref[...] = jnp.sum(prod[:, :D], axis=1)


@jax.jit
def _run(user_ids, item_ids, user_table, item_table):
    utab2 = jnp.pad(user_table[:NV], ((0, 0), (0, D)))
    itab2 = jnp.pad(item_table[:NV], ((0, 0), (0, D)))
    mesh = plsc.VectorSubcoreMesh(core_axis_name="c", subcore_axis_name="s")
    gather = functools.partial(
        pl.kernel,
        out_type=[
            jax.ShapeDtypeStruct((B, 2 * D), jnp.float32),
            jax.ShapeDtypeStruct((B, 2 * D), jnp.float32),
        ],
        mesh=mesh,
        compiler_params=pltpu.CompilerParams(needs_layout_passes=False),
        scratch_types=[
            pltpu.VMEM((BPW,), jnp.int32),
            pltpu.VMEM((BPW,), jnp.int32),
            pltpu.VMEM((CHUNK, 2 * D), jnp.float32),
            pltpu.VMEM((CHUNK, 2 * D), jnp.float32),
            pltpu.VMEM((CHUNK, 2 * D), jnp.float32),
            pltpu.VMEM((CHUNK, 2 * D), jnp.float32),
            pltpu.SemaphoreType.DMA,
            pltpu.SemaphoreType.DMA,
            pltpu.SemaphoreType.DMA,
        ],
    )(_gather_body)
    u_pad, i_pad = gather(user_ids, item_ids, utab2, itab2)

    score = pl.pallas_call(
        _dot_body,
        grid=(B // TC_BLK,),
        in_specs=[
            pl.BlockSpec((TC_BLK, 2 * D), lambda g: (g, 0)),
            pl.BlockSpec((TC_BLK, 2 * D), lambda g: (g, 0)),
        ],
        out_specs=pl.BlockSpec((TC_BLK,), lambda g: (g,)),
        out_shape=jax.ShapeDtypeStruct((B,), jnp.float32),
    )(u_pad, i_pad)

    return score, u_pad[:, :D], i_pad[:, :D]


def kernel(user_ids, item_ids, user_table, item_table):
    score, u_emb, i_emb = _run(
        user_ids.astype(jnp.int32), item_ids.astype(jnp.int32),
        user_table, item_table)
    b = user_ids.shape[0]
    return (score, u_emb.reshape(b, 1, D), i_emb.reshape(b, D, 1))

# --- scband reference (transcript-rebuilt; emitter-appended) ---
"""Pipeline reference for scband-model-12000138625300 (READ-ONLY COPY).

The authoritative reference and input builder live on the scoring server;
editing this copy changes nothing except your own understanding.
"""

import jax, jax.numpy as jnp
import numpy as np

NUM_USERS = 1000000
NUM_ITEMS = 1000000
NUM_FACTORS = 64
BATCH = 16384


def setup_inputs(seed: int = 0) -> dict:
    key = jax.random.key(seed)
    k1, k2, k3, k4 = jax.random.split(key, 4)
    user_ids = jax.random.randint(k1, (BATCH,), 0, NUM_USERS, dtype=jnp.int64 if jax.config.jax_enable_x64 else jnp.int32)
    item_ids = jax.random.randint(k2, (BATCH,), 0, NUM_ITEMS, dtype=jnp.int64 if jax.config.jax_enable_x64 else jnp.int32)
    user_table = jax.random.normal(k3, (NUM_USERS + 1, NUM_FACTORS), dtype=jnp.float32) * 0.05
    item_table = jax.random.normal(k4, (NUM_ITEMS + 1, NUM_FACTORS), dtype=jnp.float32) * 0.05
    return {"user_ids": user_ids, "item_ids": item_ids, "user_table": user_table, "item_table": item_table}


def reference(user_ids, item_ids, user_table, item_table):
    # Eval-mode forward (dropout on ids is a training-only id-zeroing trick; skipped in eval).
    b = user_ids.shape[0]
    user_embeddings = jnp.take(user_table, user_ids, axis=0).reshape(b, 1, -1)
    item_embeddings = jnp.take(item_table, item_ids, axis=0).reshape(b, -1, 1)
    score = jnp.matmul(user_embeddings, item_embeddings).reshape(b)
    return (score, user_embeddings, item_embeddings)

if __name__ == "__main__":
    import jax
    _d = setup_inputs()
    print(jax.jit(kernel)(*tuple(_d.values())))

</pallas_src>

<mosaic_0001>
#map = affine_map<(d0, d1) -> (0)>
#map1 = affine_map<(d0, d1) -> (0, 0)>
module attributes {stable_mosaic.version = 14 : i64} {
  func.func @_gather_body(%arg0: i32, %arg1: i32, %arg2: memref<16384xi32, #tpu.memory_space<hbm>>, %arg3: memref<16384xi32, #tpu.memory_space<hbm>>, %arg4: memref<1000000x128xf32, #tpu.memory_space<hbm>>, %arg5: memref<1000000x128xf32, #tpu.memory_space<hbm>>, %arg6: memref<16384x128xf32, #tpu.memory_space<hbm>>, %arg7: memref<16384x128xf32, #tpu.memory_space<hbm>>, %arg8: memref<512xi32, #tpu.memory_space<vmem>>, %arg9: memref<512xi32, #tpu.memory_space<vmem>>, %arg10: memref<128x128xf32, #tpu.memory_space<vmem>>, %arg11: memref<128x128xf32, #tpu.memory_space<vmem>>, %arg12: memref<128x128xf32, #tpu.memory_space<vmem>>, %arg13: memref<128x128xf32, #tpu.memory_space<vmem>>, %arg14: memref<!tpu.dma_semaphore, #tpu.memory_space<semaphore_mem>>, %arg15: memref<!tpu.dma_semaphore, #tpu.memory_space<semaphore_mem>>, %arg16: memref<!tpu.dma_semaphore, #tpu.memory_space<semaphore_mem>>) attributes {dimension_semantics = [#tpu.dimension_semantics<core_parallel>, #tpu.dimension_semantics<subcore_parallel>], iteration_bounds = array<i64: 2, 16>, scalar_prefetch = 0 : i64, scratch_operands = 9 : i64, tpu.core_type = #tpu.core_type<sc_vector_subcore>, window_params = [{transform_indices = #map}, {transform_indices = #map}, {transform_indices = #map1}, {transform_indices = #map1}, {transform_indices = #map1}, {transform_indices = #map1}]} {
    %mul3A = arith.constant 2 : i32
    %mul3A_0 = arith.muli %arg1, %mul3A : i32
    %add3A = arith.addi %mul3A_0, %arg0 : i32
    %mul3A_1 = arith.constant 512 : i32
    %mul3A_2 = arith.muli %add3A, %mul3A_1 : i32
    "tpu.region"() ({
      %run_scoped3A = tpu.sem_alloc : memref<!tpu.dma_semaphore, #tpu.memory_space<semaphore_mem>>
      %dma_start3A_153 = tpu.memref_slice %arg2[%mul3A_2] : memref<16384xi32, #tpu.memory_space<hbm>> -> memref<512xi32, #tpu.memory_space<hbm>>
      %dma_start3A_154 = tpu.memref_slice %arg2[%mul3A_2] : memref<16384xi32, #tpu.memory_space<hbm>> -> memref<512xi32, #tpu.memory_space<hbm>>
      tpu.enqueue_dma source(%dma_start3A_154 : memref<512xi32, #tpu.memory_space<hbm>>) target(%arg8 : memref<512xi32, #tpu.memory_space<vmem>>) target_semaphore(%run_scoped3A : memref<!tpu.dma_semaphore, #tpu.memory_space<semaphore_mem>>)
      %dma_wait3A_155 = tpu.memref_slice %arg2[%mul3A_2] : memref<16384xi32, #tpu.memory_space<hbm>> -> memref<512xi32, #tpu.memory_space<hbm>>
      %dma_wait3A_156 = tpu.memref_slice %arg2[%mul3A_2] : memref<16384xi32, #tpu.memory_space<hbm>> -> memref<512xi32, #tpu.memory_space<hbm>>
      tpu.wait_dma2 semaphore(%run_scoped3A : memref<!tpu.dma_semaphore, #tpu.memory_space<semaphore_mem>>) src(%dma_wait3A_156 : memref<512xi32, #tpu.memory_space<hbm>>) dst(%arg8 : memref<512xi32, #tpu.memory_space<vmem>>)
      tpu.yield
    }) : () -> ()
    "tpu.region"() ({
      %run_scoped3A = tpu.sem_alloc : memref<!tpu.dma_semaphore, #tpu.memory_space<semaphore_mem>>
      %dma_start3A_153 = tpu.memref_slice %arg3[%mul3A_2] : memref<16384xi32, #tpu.memory_space<hbm>> -> memref<512xi32, #tpu.memory_space<hbm>>
      %dma_start3A_154 = tpu.memref_slice %arg3[%mul3A_2] : memref<16384xi32, #tpu.memory_space<hbm>> -> memref<512xi32, #tpu.memory_space<hbm>>
      tpu.enqueue_dma source(%dma_start3A_154 : memref<512xi32, #tpu.memory_space<hbm>>) target(%arg9 : memref<512xi32, #tpu.memory_space<vmem>>) target_semaphore(%run_scoped3A : memref<!tpu.dma_semaphore, #tpu.memory_space<semaphore_mem>>)
      %dma_wait3A_155 = tpu.memref_slice %arg3[%mul3A_2] : memref<16384xi32, #tpu.memory_space<hbm>> -> memref<512xi32, #tpu.memory_space<hbm>>
      %dma_wait3A_156 = tpu.memref_slice %arg3[%mul3A_2] : memref<16384xi32, #tpu.memory_space<hbm>> -> memref<512xi32, #tpu.memory_space<hbm>>
      tpu.wait_dma2 semaphore(%run_scoped3A : memref<!tpu.dma_semaphore, #tpu.memory_space<semaphore_mem>>) src(%dma_wait3A_156 : memref<512xi32, #tpu.memory_space<hbm>>) dst(%arg9 : memref<512xi32, #tpu.memory_space<vmem>>)
      tpu.yield
    }) : () -> ()
    %dma_start3A = arith.constant 0 : i32
    %dma_start3A_3 = tpu.memref_slice %arg8[%dma_start3A] : memref<512xi32, #tpu.memory_space<vmem>> -> memref<128xi32, #tpu.memory_space<vmem>>
    %dma_start3A_4 = arith.constant 0 : i32
    %dma_start3A_5 = arith.constant 0 : i32
    %dma_start3A_6 = tpu.memref_slice %arg4[%dma_start3A_4, %dma_start3A_5] : memref<1000000x128xf32, #tpu.memory_space<hbm>> -> memref<1000000x128xf32, #tpu.memory_space<hbm>>
    tpu.enqueue_indirect_dma source(%dma_start3A_6 : memref<1000000x128xf32, #tpu.memory_space<hbm>>) target(%arg10 : memref<128x128xf32, #tpu.memory_space<vmem>>) offsets(%dma_start3A_3 : memref<128xi32, #tpu.memory_space<vmem>>) semaphore(%arg14 : memref<!tpu.dma_semaphore, #tpu.memory_space<semaphore_mem>>)
    %dma_start3A_7 = arith.constant 0 : i32
    %dma_start3A_8 = tpu.memref_slice %arg9[%dma_start3A_7] : memref<512xi32, #tpu.memory_space<vmem>> -> memref<128xi32, #tpu.memory_space<vmem>>
    %dma_start3A_9 = arith.constant 0 : i32
    %dma_start3A_10 = arith.constant 0 : i32
    %dma_start3A_11 = tpu.memref_slice %arg5[%dma_start3A_9, %dma_start3A_10] : memref<1000000x128xf32, #tpu.memory_space<hbm>> -> memref<1000000x128xf32, #tpu.memory_space<hbm>>
    tpu.enqueue_indirect_dma source(%dma_start3A_11 : memref<1000000x128xf32, #tpu.memory_space<hbm>>) target(%arg11 : memref<128x128xf32, #tpu.memory_space<vmem>>) offsets(%dma_start3A_8 : memref<128xi32, #tpu.memory_space<vmem>>) semaphore(%arg14 : memref<!tpu.dma_semaphore, #tpu.memory_space<semaphore_mem>>)
    %dma_wait3A = arith.constant 0 : i32
    %dma_wait3A_12 = tpu.memref_slice %arg8[%dma_wait3A] : memref<512xi32, #tpu.memory_space<vmem>> -> memref<128xi32, #tpu.memory_space<vmem>>
    %dma_wait3A_13 = arith.constant 0 : i32
    %dma_wait3A_14 = arith.constant 0 : i32
    %dma_wait3A_15 = tpu.memref_slice %arg4[%dma_wait3A_13, %dma_wait3A_14] : memref<1000000x128xf32, #tpu.memory_space<hbm>> -> memref<1000000x128xf32, #tpu.memory_space<hbm>>
    tpu.wait_indirect_dma semaphore(%arg14 : memref<!tpu.dma_semaphore, #tpu.memory_space<semaphore_mem>>) src(%dma_wait3A_15 : memref<1000000x128xf32, #tpu.memory_space<hbm>>) dst(%arg10 : memref<128x128xf32, #tpu.memory_space<vmem>>)
    %dma_wait3A_16 = arith.constant 0 : i32
    %dma_wait3A_17 = tpu.memref_slice %arg9[%dma_wait3A_16] : memref<512xi32, #tpu.memory_space<vmem>> -> memref<128xi32, #tpu.memory_space<vmem>>
    %dma_wait3A_18 = arith.constant 0 : i32
    %dma_wait3A_19 = arith.constant 0 : i32
    %dma_wait3A_20 = tpu.memref_slice %arg5[%dma_wait3A_18, %dma_wait3A_19] : memref<1000000x128xf32, #tpu.memory_space<hbm>> -> memref<1000000x128xf32, #tpu.memory_space<hbm>>
    tpu.wait_indirect_dma semaphore(%arg14 : memref<!tpu.dma_semaphore, #tpu.memory_space<semaphore_mem>>) src(%dma_wait3A_20 : memref<1000000x128xf32, #tpu.memory_space<hbm>>) dst(%arg11 : memref<128x128xf32, #tpu.memory_space<vmem>>)
    %dma_start3A_21 = arith.constant 128 : i32
    %dma_start3A_22 = tpu.memref_slice %arg8[%dma_start3A_21] : memref<512xi32, #tpu.memory_space<vmem>> -> memref<128xi32, #tpu.memory_space<vmem>>
    %dma_start3A_23 = arith.constant 0 : i32
    %dma_start3A_24 = arith.constant 0 : i32
    %dma_start3A_25 = tpu.memref_slice %arg4[%dma_start3A_23, %dma_start3A_24] : memref<1000000x128xf32, #tpu.memory_space<hbm>> -> memref<1000000x128xf32, #tpu.memory_space<hbm>>
    tpu.enqueue_indirect_dma source(%dma_start3A_25 : memref<1000000x128xf32, #tpu.memory_space<hbm>>) target(%arg12 : memref<128x128xf32, #tpu.memory_space<vmem>>) offsets(%dma_start3A_22 : memref<128xi32, #tpu.memory_space<vmem>>) semaphore(%arg15 : memref<!tpu.dma_semaphore, #tpu.memory_space<semaphore_mem>>)
    %dma_start3A_26 = arith.constant 128 : i32
    %dma_start3A_27 = tpu.memref_slice %arg9[%dma_start3A_26] : memref<512xi32, #tpu.memory_space<vmem>> -> memref<128xi32, #tpu.memory_space<vmem>>
    %dma_start3A_28 = arith.constant 0 : i32
    %dma_start3A_29 = arith.constant 0 : i32
    %dma_start3A_30 = tpu.memref_slice %arg5[%dma_start3A_28, %dma_start3A_29] : memref<1000000x128xf32, #tpu.memory_space<hbm>> -> memref<1000000x128xf32, #tpu.memory_space<hbm>>
    tpu.enqueue_indirect_dma source(%dma_start3A_30 : memref<1000000x128xf32, #tpu.memory_space<hbm>>) target(%arg13 : memref<128x128xf32, #tpu.memory_space<vmem>>) offsets(%dma_start3A_27 : memref<128xi32, #tpu.memory_space<vmem>>) semaphore(%arg15 : memref<!tpu.dma_semaphore, #tpu.memory_space<semaphore_mem>>)
    %add3A_31 = arith.constant 0 : i32
    %add3A_32 = arith.addi %mul3A_2, %add3A_31 : i32
    %dma_start3A_33 = arith.constant 0 : i32
    %dma_start3A_34 = tpu.memref_slice %arg6[%add3A_32, %dma_start3A_33] : memref<16384x128xf32, #tpu.memory_space<hbm>> -> memref<128x128xf32, #tpu.memory_space<hbm>>
    %dma_start3A_35 = arith.constant 0 : i32
    %dma_start3A_36 = tpu.memref_slice %arg6[%add3A_32, %dma_start3A_35] : memref<16384x128xf32, #tpu.memory_space<hbm>> -> memref<128x128xf32, #tpu.memory_space<hbm>>
    tpu.enqueue_dma source(%arg10 : memref<128x128xf32, #tpu.memory_space<vmem>>) target(%dma_start3A_36 : memref<128x128xf32, #tpu.memory_space<hbm>>) target_semaphore(%arg16 : memref<!tpu.dma_semaphore, #tpu.memory_space<semaphore_mem>>)
    %dma_start3A_37 = arith.constant 0 : i32
    %dma_start3A_38 = tpu.memref_slice %arg7[%add3A_32, %dma_start3A_37] : memref<16384x128xf32, #tpu.memory_space<hbm>> -> memref<128x128xf32, #tpu.memory_space<hbm>>
    %dma_start3A_39 = arith.constant 0 : i32
    %dma_start3A_40 = tpu.memref_slice %arg7[%add3A_32, %dma_start3A_39] : memref<16384x128xf32, #tpu.memory_space<hbm>> -> memref<128x128xf32, #tpu.memory_space<hbm>>
    tpu.enqueue_dma source(%arg11 : memref<128x128xf32, #tpu.memory_space<vmem>>) target(%dma_start3A_40 : memref<128x128xf32, #tpu.memory_space<hbm>>) target_semaphore(%arg16 : memref<!tpu.dma_semaphore, #tpu.memory_space<semaphore_mem>>)
    %dma_wait3A_41 = arith.constant 128 : i32
    %dma_wait3A_42 = tpu.memref_slice %arg8[%dma_wait3A_41] : memref<512xi32, #tpu.memory_space<vmem>> -> memref<128xi32, #tpu.memory_space<vmem>>
    %dma_wait3A_43 = arith.constant 0 : i32
    %dma_wait3A_44 = arith.constant 0 : i32
    %dma_wait3A_45 = tpu.memref_slice %arg4[%dma_wait3A_43, %dma_wait3A_44] : memref<1000000x128xf32, #tpu.memory_space<hbm>> -> memref<1000000x128xf32, #tpu.memory_space<hbm>>
    tpu.wait_indirect_dma semaphore(%arg15 : memref<!tpu.dma_semaphore, #tpu.memory_space<semaphore_mem>>) src(%dma_wait3A_45 : memref<1000000x128xf32, #tpu.memory_space<hbm>>) dst(%arg12 : memref<128x128xf32, #tpu.memory_space<vmem>>)
    %dma_wait3A_46 = arith.constant 128 : i32
    %dma_wait3A_47 = tpu.memref_slice %arg9[%dma_wait3A_46] : memref<512xi32, #tpu.memory_space<vmem>> -> memref<128xi32, #tpu.memory_space<vmem>>
    %dma_wait3A_48 = arith.constant 0 : i32
    %dma_wait3A_49 = arith.constant 0 : i32
    %dma_wait3A_50 = tpu.memref_slice %arg5[%dma_wait3A_48, %dma_wait3A_49] : memref<1000000x128xf32, #tpu.memory_space<hbm>> -> memref<1000000x128xf32, #tpu.memory_space<hbm>>
    tpu.wait_indirect_dma semaphore(%arg15 : memref<!tpu.dma_semaphore, #tpu.memory_space<semaphore_mem>>) src(%dma_wait3A_50 : memref<1000000x128xf32, #tpu.memory_space<hbm>>) dst(%arg13 : memref<128x128xf32, #tpu.memory_space<vmem>>)
    %dma_start3A_51 = arith.constant 256 : i32
    %dma_start3A_52 = tpu.memref_slice %arg8[%dma_start3A_51] : memref<512xi32, #tpu.memory_space<vmem>> -> memref<128xi32, #tpu.memory_space<vmem>>
    %dma_start3A_53 = arith.constant 0 : i32
    %dma_start3A_54 = arith.constant 0 : i32
    %dma_start3A_55 = tpu.memref_slice %arg4[%dma_start3A_53, %dma_start3A_54] : memref<1000000x128xf32, #tpu.memory_space<hbm>> -> memref<1000000x128xf32, #tpu.memory_space<hbm>>
    tpu.enqueue_indirect_dma source(%dma_start3A_55 : memref<1000000x128xf32, #tpu.memory_space<hbm>>) target(%arg10 : memref<128x128xf32, #tpu.memory_space<vmem>>) offsets(%dma_start3A_52 : memref<128xi32, #tpu.memory_space<vmem>>) semaphore(%arg14 : memref<!tpu.dma_semaphore, #tpu.memory_space<semaphore_mem>>)
    %dma_start3A_56 = arith.constant 256 : i32
    %dma_start3A_57 = tpu.memref_slice %arg9[%dma_start3A_56] : memref<512xi32, #tpu.memory_space<vmem>> -> memref<128xi32, #tpu.memory_space<vmem>>
    %dma_start3A_58 = arith.constant 0 : i32
    %dma_start3A_59 = arith.constant 0 : i32
    %dma_start3A_60 = tpu.memref_slice %arg5[%dma_start3A_58, %dma_start3A_59] : memref<1000000x128xf32, #tpu.memory_space<hbm>> -> memref<1000000x128xf32, #tpu.memory_space<hbm>>
    tpu.enqueue_indirect_dma source(%dma_start3A_60 : memref<1000000x128xf32, #tpu.memory_space<hbm>>) target(%arg11 : memref<128x128xf32, #tpu.memory_space<vmem>>) offsets(%dma_start3A_57 : memref<128xi32, #tpu.memory_space<vmem>>) semaphore(%arg14 : memref<!tpu.dma_semaphore, #tpu.memory_space<semaphore_mem>>)
    %dma_wait3A_61 = arith.constant 0 : i32
    %dma_wait3A_62 = tpu.memref_slice %arg6[%add3A_32, %dma_wait3A_61] : memref<16384x128xf32, #tpu.memory_space<hbm>> -> memref<128x128xf32, #tpu.memory_space<hbm>>
    %dma_wait3A_63 = arith.constant 0 : i32
    %dma_wait3A_64 = tpu.memref_slice %arg6[%add3A_32, %dma_wait3A_63] : memref<16384x128xf32, #tpu.memory_space<hbm>> -> memref<128x128xf32, #tpu.memory_space<hbm>>
    tpu.wait_dma2 semaphore(%arg16 : memref<!tpu.dma_semaphore, #tpu.memory_space<semaphore_mem>>) src(%arg10 : memref<128x128xf32, #tpu.memory_space<vmem>>) dst(%dma_wait3A_64 : memref<128x128xf32, #tpu.memory_space<hbm>>)
    %dma_wait3A_65 = arith.constant 0 : i32
    %dma_wait3A_66 = tpu.memref_slice %arg7[%add3A_32, %dma_wait3A_65] : memref<16384x128xf32, #tpu.memory_space<hbm>> -> memref<128x128xf32, #tpu.memory_space<hbm>>
    %dma_wait3A_67 = arith.constant 0 : i32
    %dma_wait3A_68 = tpu.memref_slice %arg7[%add3A_32, %dma_wait3A_67] : memref<16384x128xf32, #tpu.memory_space<hbm>> -> memref<128x128xf32, #tpu.memory_space<hbm>>
    tpu.wait_dma2 semaphore(%arg16 : memref<!tpu.dma_semaphore, #tpu.memory_space<semaphore_mem>>) src(%arg11 : memref<128x128xf32, #tpu.memory_space<vmem>>) dst(%dma_wait3A_68 : memref<128x128xf32, #tpu.memory_space<hbm>>)
    %add3A_69 = arith.constant 128 : i32
    %add3A_70 = arith.addi %mul3A_2, %add3A_69 : i32
    %dma_start3A_71 = arith.constant 0 : i32
    %dma_start3A_72 = tpu.memref_slice %arg6[%add3A_70, %dma_start3A_71] : memref<16384x128xf32, #tpu.memory_space<hbm>> -> memref<128x128xf32, #tpu.memory_space<hbm>>
    %dma_start3A_73 = arith.constant 0 : i32
    %dma_start3A_74 = tpu.memref_slice %arg6[%add3A_70, %dma_start3A_73] : memref<16384x128xf32, #tpu.memory_space<hbm>> -> memref<128x128xf32, #tpu.memory_space<hbm>>
    tpu.enqueue_dma source(%arg12 : memref<128x128xf32, #tpu.memory_space<vmem>>) target(%dma_start3A_74 : memref<128x128xf32, #tpu.memory_space<hbm>>) target_semaphore(%arg16 : memref<!tpu.dma_semaphore, #tpu.memory_space<semaphore_mem>>)
    %dma_start3A_75 = arith.constant 0 : i32
    %dma_start3A_76 = tpu.memref_slice %arg7[%add3A_70, %dma_start3A_75] : memref<16384x128xf32, #tpu.memory_space<hbm>> -> memref<128x128xf32, #tpu.memory_space<hbm>>
    %dma_start3A_77 = arith.constant 0 : i32
    %dma_start3A_78 = tpu.memref_slice %arg7[%add3A_70, %dma_start3A_77] : memref<16384x128xf32, #tpu.memory_space<hbm>> -> memref<128x128xf32, #tpu.memory_space<hbm>>
    tpu.enqueue_dma source(%arg13 : memref<128x128xf32, #tpu.memory_space<vmem>>) target(%dma_start3A_78 : memref<128x128xf32, #tpu.memory_space<hbm>>) target_semaphore(%arg16 : memref<!tpu.dma_semaphore, #tpu.memory_space<semaphore_mem>>)
    %dma_wait3A_79 = arith.constant 256 : i32
    %dma_wait3A_80 = tpu.memref_slice %arg8[%dma_wait3A_79] : memref<512xi32, #tpu.memory_space<vmem>> -> memref<128xi32, #tpu.memory_space<vmem>>
    %dma_wait3A_81 = arith.constant 0 : i32
    %dma_wait3A_82 = arith.constant 0 : i32
    %dma_wait3A_83 = tpu.memref_slice %arg4[%dma_wait3A_81, %dma_wait3A_82] : memref<1000000x128xf32, #tpu.memory_space<hbm>> -> memref<1000000x128xf32, #tpu.memory_space<hbm>>
    tpu.wait_indirect_dma semaphore(%arg14 : memref<!tpu.dma_semaphore, #tpu.memory_space<semaphore_mem>>) src(%dma_wait3A_83 : memref<1000000x128xf32, #tpu.memory_space<hbm>>) dst(%arg10 : memref<128x128xf32, #tpu.memory_space<vmem>>)
    %dma_wait3A_84 = arith.constant 256 : i32
    %dma_wait3A_85 = tpu.memref_slice %arg9[%dma_wait3A_84] : memref<512xi32, #tpu.memory_space<vmem>> -> memref<128xi32, #tpu.memory_space<vmem>>
    %dma_wait3A_86 = arith.constant 0 : i32
    %dma_wait3A_87 = arith.constant 0 : i32
    %dma_wait3A_88 = tpu.memref_slice %arg5[%dma_wait3A_86, %dma_wait3A_87] : memref<1000000x128xf32, #tpu.memory_space<hbm>> -> memref<1000000x128xf32, #tpu.memory_space<hbm>>
    tpu.wait_indirect_dma semaphore(%arg14 : memref<!tpu.dma_semaphore, #tpu.memory_space<semaphore_mem>>) src(%dma_wait3A_88 : memref<1000000x128xf32, #tpu.memory_space<hbm>>) dst(%arg11 : memref<128x128xf32, #tpu.memory_space<vmem>>)
    %dma_start3A_89 = arith.constant 384 : i32
    %dma_start3A_90 = tpu.memref_slice %arg8[%dma_start3A_89] : memref<512xi32, #tpu.memory_space<vmem>> -> memref<128xi32, #tpu.memory_space<vmem>>
    %dma_start3A_91 = arith.constant 0 : i32
    %dma_start3A_92 = arith.constant 0 : i32
    %dma_start3A_93 = tpu.memref_slice %arg4[%dma_start3A_91, %dma_start3A_92] : memref<1000000x128xf32, #tpu.memory_space<hbm>> -> memref<1000000x128xf32, #tpu.memory_space<hbm>>
    tpu.enqueue_indirect_dma source(%dma_start3A_93 : memref<1000000x128xf32, #tpu.memory_space<hbm>>) target(%arg12 : memref<128x128xf32, #tpu.memory_space<vmem>>) offsets(%dma_start3A_90 : memref<128xi32, #tpu.memory_space<vmem>>) semaphore(%arg15 : memref<!tpu.dma_semaphore, #tpu.memory_space<semaphore_mem>>)
    %dma_start3A_94 = arith.constant 384 : i32
    %dma_start3A_95 = tpu.memref_slice %arg9[%dma_start3A_94] : memref<512xi32, #tpu.memory_space<vmem>> -> memref<128xi32, #tpu.memory_space<vmem>>
    %dma_start3A_96 = arith.constant 0 : i32
    %dma_start3A_97 = arith.constant 0 : i32
    %dma_start3A_98 = tpu.memref_slice %arg5[%dma_start3A_96, %dma_start3A_97] : memref<1000000x128xf32, #tpu.memory_space<hbm>> -> memref<1000000x128xf32, #tpu.memory_space<hbm>>
    tpu.enqueue_indirect_dma source(%dma_start3A_98 : memref<1000000x128xf32, #tpu.memory_space<hbm>>) target(%arg13 : memref<128x128xf32, #tpu.memory_space<vmem>>) offsets(%dma_start3A_95 : memref<128xi32, #tpu.memory_space<vmem>>) semaphore(%arg15 : memref<!tpu.dma_semaphore, #tpu.memory_space<semaphore_mem>>)
    %dma_wait3A_99 = arith.constant 0 : i32
    %dma_wait3A_100 = tpu.memref_slice %arg6[%add3A_70, %dma_wait3A_99] : memref<16384x128xf32, #tpu.memory_space<hbm>> -> memref<128x128xf32, #tpu.memory_space<hbm>>
    %dma_wait3A_101 = arith.constant 0 : i32
    %dma_wait3A_102 = tpu.memref_slice %arg6[%add3A_70, %dma_wait3A_101] : memref<16384x128xf32, #tpu.memory_space<hbm>> -> memref<128x128xf32, #tpu.memory_space<hbm>>
    tpu.wait_dma2 semaphore(%arg16 : memref<!tpu.dma_semaphore, #tpu.memory_space<semaphore_mem>>) src(%arg12 : memref<128x128xf32, #tpu.memory_space<vmem>>) dst(%dma_wait3A_102 : memref<128x128xf32, #tpu.memory_space<hbm>>)
    %dma_wait3A_103 = arith.constant 0 : i32
    %dma_wait3A_104 = tpu.memref_slice %arg7[%add3A_70, %dma_wait3A_103] : memref<16384x128xf32, #tpu.memory_space<hbm>> -> memref<128x128xf32, #tpu.memory_space<hbm>>
    %dma_wait3A_105 = arith.constant 0 : i32
    %dma_wait3A_106 = tpu.memref_slice %arg7[%add3A_70, %dma_wait3A_105] : memref<16384x128xf32, #tpu.memory_space<hbm>> -> memref<128x128xf32, #tpu.memory_space<hbm>>
    tpu.wait_dma2 semaphore(%arg16 : memref<!tpu.dma_semaphore, #tpu.memory_space<semaphore_mem>>) src(%arg13 : memref<128x128xf32, #tpu.memory_space<vmem>>) dst(%dma_wait3A_106 : memref<128x128xf32, #tpu.memory_space<hbm>>)
    %add3A_107 = arith.constant 256 : i32
    %add3A_108 = arith.addi %mul3A_2, %add3A_107 : i32
    %dma_start3A_109 = arith.constant 0 : i32
    %dma_start3A_110 = tpu.memref_slice %arg6[%add3A_108, %dma_start3A_109] : memref<16384x128xf32, #tpu.memory_space<hbm>> -> memref<128x128xf32, #tpu.memory_space<hbm>>
    %dma_start3A_111 = arith.constant 0 : i32
    %dma_start3A_112 = tpu.memref_slice %arg6[%add3A_108, %dma_start3A_111] : memref<16384x128xf32, #tpu.memory_space<hbm>> -> memref<128x128xf32, #tpu.memory_space<hbm>>
    tpu.enqueue_dma source(%arg10 : memref<128x128xf32, #tpu.memory_space<vmem>>) target(%dma_start3A_112 : memref<128x128xf32, #tpu.memory_space<hbm>>) target_semaphore(%arg16 : memref<!tpu.dma_semaphore, #tpu.memory_space<semaphore_mem>>)
    %dma_start3A_113 = arith.constant 0 : i32
    %dma_start3A_114 = tpu.memref_slice %arg7[%add3A_108, %dma_start3A_113] : memref<16384x128xf32, #tpu.memory_space<hbm>> -> memref<128x128xf32, #tpu.memory_space<hbm>>
    %dma_start3A_115 = arith.constant 0 : i32
    %dma_start3A_116 = tpu.memref_slice %arg7[%add3A_108, %dma_start3A_115] : memref<16384x128xf32, #tpu.memory_space<hbm>> -> memref<128x128xf32, #tpu.memory_space<hbm>>
    tpu.enqueue_dma source(%arg11 : memref<128x128xf32, #tpu.memory_space<vmem>>) target(%dma_start3A_116 : memref<128x128xf32, #tpu.memory_space<hbm>>) target_semaphore(%arg16 : memref<!tpu.dma_semaphore, #tpu.memory_space<semaphore_mem>>)
    %dma_wait3A_117 = arith.constant 384 : i32
    %dma_wait3A_118 = tpu.memref_slice %arg8[%dma_wait3A_117] : memref<512xi32, #tpu.memory_space<vmem>> -> memref<128xi32, #tpu.memory_space<vmem>>
    %dma_wait3A_119 = arith.constant 0 : i32
    %dma_wait3A_120 = arith.constant 0 : i32
    %dma_wait3A_121 = tpu.memref_slice %arg4[%dma_wait3A_119, %dma_wait3A_120] : memref<1000000x128xf32, #tpu.memory_space<hbm>> -> memref<1000000x128xf32, #tpu.memory_space<hbm>>
    tpu.wait_indirect_dma semaphore(%arg15 : memref<!tpu.dma_semaphore, #tpu.memory_space<semaphore_mem>>) src(%dma_wait3A_121 : memref<1000000x128xf32, #tpu.memory_space<hbm>>) dst(%arg12 : memref<128x128xf32, #tpu.memory_space<vmem>>)
    %dma_wait3A_122 = arith.constant 384 : i32
    %dma_wait3A_123 = tpu.memref_slice %arg9[%dma_wait3A_122] : memref<512xi32, #tpu.memory_space<vmem>> -> memref<128xi32, #tpu.memory_space<vmem>>
    %dma_wait3A_124 = arith.constant 0 : i32
    %dma_wait3A_125 = arith.constant 0 : i32
    %dma_wait3A_126 = tpu.memref_slice %arg5[%dma_wait3A_124, %dma_wait3A_125] : memref<1000000x128xf32, #tpu.memory_space<hbm>> -> memref<1000000x128xf32, #tpu.memory_space<hbm>>
    tpu.wait_indirect_dma semaphore(%arg15 : memref<!tpu.dma_semaphore, #tpu.memory_space<semaphore_mem>>) src(%dma_wait3A_126 : memref<1000000x128xf32, #tpu.memory_space<hbm>>) dst(%arg13 : memref<128x128xf32, #tpu.memory_space<vmem>>)
    %dma_wait3A_127 = arith.constant 0 : i32
    %dma_wait3A_128 = tpu.memref_slice %arg6[%add3A_108, %dma_wait3A_127] : memref<16384x128xf32, #tpu.memory_space<hbm>> -> memref<128x128xf32, #tpu.memory_space<hbm>>
    %dma_wait3A_129 = arith.constant 0 : i32
    %dma_wait3A_130 = tpu.memref_slice %arg6[%add3A_108, %dma_wait3A_129] : memref<16384x128xf32, #tpu.memory_space<hbm>> -> memref<128x128xf32, #tpu.memory_space<hbm>>
    tpu.wait_dma2 semaphore(%arg16 : memref<!tpu.dma_semaphore, #tpu.memory_space<semaphore_mem>>) src(%arg10 : memref<128x128xf32, #tpu.memory_space<vmem>>) dst(%dma_wait3A_130 : memref<128x128xf32, #tpu.memory_space<hbm>>)
    %dma_wait3A_131 = arith.constant 0 : i32
    %dma_wait3A_132 = tpu.memref_slice %arg7[%add3A_108, %dma_wait3A_131] : memref<16384x128xf32, #tpu.memory_space<hbm>> -> memref<128x128xf32, #tpu.memory_space<hbm>>
    %dma_wait3A_133 = arith.constant 0 : i32
    %dma_wait3A_134 = tpu.memref_slice %arg7[%add3A_108, %dma_wait3A_133] : memref<16384x128xf32, #tpu.memory_space<hbm>> -> memref<128x128xf32, #tpu.memory_space<hbm>>
    tpu.wait_dma2 semaphore(%arg16 : memref<!tpu.dma_semaphore, #tpu.memory_space<semaphore_mem>>) src(%arg11 : memref<128x128xf32, #tpu.memory_space<vmem>>) dst(%dma_wait3A_134 : memref<128x128xf32, #tpu.memory_space<hbm>>)
    %add3A_135 = arith.constant 384 : i32
    %add3A_136 = arith.addi %mul3A_2, %add3A_135 : i32
    %dma_start3A_137 = arith.constant 0 : i32
    %dma_start3A_138 = tpu.memref_slice %arg6[%add3A_136, %dma_start3A_137] : memref<16384x128xf32, #tpu.memory_space<hbm>> -> memref<128x128xf32, #tpu.memory_space<hbm>>
    %dma_start3A_139 = arith.constant 0 : i32
    %dma_start3A_140 = tpu.memref_slice %arg6[%add3A_136, %dma_start3A_139] : memref<16384x128xf32, #tpu.memory_space<hbm>> -> memref<128x128xf32, #tpu.memory_space<hbm>>
    tpu.enqueue_dma source(%arg12 : memref<128x128xf32, #tpu.memory_space<vmem>>) target(%dma_start3A_140 : memref<128x128xf32, #tpu.memory_space<hbm>>) target_semaphore(%arg16 : memref<!tpu.dma_semaphore, #tpu.memory_space<semaphore_mem>>)
    %dma_start3A_141 = arith.constant 0 : i32
    %dma_start3A_142 = tpu.memref_slice %arg7[%add3A_136, %dma_start3A_141] : memref<16384x128xf32, #tpu.memory_space<hbm>> -> memref<128x128xf32, #tpu.memory_space<hbm>>
    %dma_start3A_143 = arith.constant 0 : i32
    %dma_start3A_144 = tpu.memref_slice %arg7[%add3A_136, %dma_start3A_143] : memref<16384x128xf32, #tpu.memory_space<hbm>> -> memref<128x128xf32, #tpu.memory_space<hbm>>
    tpu.enqueue_dma source(%arg13 : memref<128x128xf32, #tpu.memory_space<vmem>>) target(%dma_start3A_144 : memref<128x128xf32, #tpu.memory_space<hbm>>) target_semaphore(%arg16 : memref<!tpu.dma_semaphore, #tpu.memory_space<semaphore_mem>>)
    %dma_wait3A_145 = arith.constant 0 : i32
    %dma_wait3A_146 = tpu.memref_slice %arg6[%add3A_136, %dma_wait3A_145] : memref<16384x128xf32, #tpu.memory_space<hbm>> -> memref<128x128xf32, #tpu.memory_space<hbm>>
    %dma_wait3A_147 = arith.constant 0 : i32
    %dma_wait3A_148 = tpu.memref_slice %arg6[%add3A_136, %dma_wait3A_147] : memref<16384x128xf32, #tpu.memory_space<hbm>> -> memref<128x128xf32, #tpu.memory_space<hbm>>
    tpu.wait_dma2 semaphore(%arg16 : memref<!tpu.dma_semaphore, #tpu.memory_space<semaphore_mem>>) src(%arg12 : memref<128x128xf32, #tpu.memory_space<vmem>>) dst(%dma_wait3A_148 : memref<128x128xf32, #tpu.memory_space<hbm>>)
    %dma_wait3A_149 = arith.constant 0 : i32
    %dma_wait3A_150 = tpu.memref_slice %arg7[%add3A_136, %dma_wait3A_149] : memref<16384x128xf32, #tpu.memory_space<hbm>> -> memref<128x128xf32, #tpu.memory_space<hbm>>
    %dma_wait3A_151 = arith.constant 0 : i32
    %dma_wait3A_152 = tpu.memref_slice %arg7[%add3A_136, %dma_wait3A_151] : memref<16384x128xf32, #tpu.memory_space<hbm>> -> memref<128x128xf32, #tpu.memory_space<hbm>>
    tpu.wait_dma2 semaphore(%arg16 : memref<!tpu.dma_semaphore, #tpu.memory_space<semaphore_mem>>) src(%arg13 : memref<128x128xf32, #tpu.memory_space<vmem>>) dst(%dma_wait3A_152 : memref<128x128xf32, #tpu.memory_space<hbm>>)
    return
  }
}

module attributes {stable_mosaic.version = 14 : i64} {
  func.func @_dot_body(%arg0: i32, %arg1: memref<2048x128xf32, #tpu.memory_space<vmem>>, %arg2: memref<2048x128xf32, #tpu.memory_space<vmem>>, %arg3: memref<2048xf32, #tpu.memory_space<vmem>>) attributes {dimension_semantics = [#tpu.dimension_semantics<arbitrary>], iteration_bounds = array<i64: 8>, scalar_prefetch = 0 : i64, scratch_operands = 0 : i64, tpu.core_type = #tpu.core_type<tc>, window_params = [{transform_indices = @transform_0, window_bounds = array<i64: 2048, 128>}, {transform_indices = @transform_1, window_bounds = array<i64: 2048, 128>}, {transform_indices = @transform_2, window_bounds = array<i64: 2048>}]} {
    %get3A = arith.constant 0 : index
    %get3A_0 = arith.constant 0 : index
    %get3A_1 = vector.load %arg1[%get3A, %get3A_0] : memref<2048x128xf32, #tpu.memory_space<vmem>>, vector<2048x128xf32>
    %get3A_2 = arith.constant 0 : index
    %get3A_3 = arith.constant 0 : index
    %get3A_4 = vector.load %arg2[%get3A_2, %get3A_3] : memref<2048x128xf32, #tpu.memory_space<vmem>>, vector<2048x128xf32>
    %mul3A = arith.mulf %get3A_1, %get3A_4 : vector<2048x128xf32>
    %slice3A = vector.extract_strided_slice %mul3A {offsets = [0, 0], sizes = [2048, 64], strides = [1, 1]} : vector<2048x128xf32> to vector<2048x64xf32>
    %reduce_sum3A = arith.constant dense<0.000000e+00> : vector<2048xf32>
    %reduce_sum3A_5 = vector.multi_reduction <add>, %slice3A, %reduce_sum3A [1] : vector<2048x64xf32> to vector<2048xf32>
    %swap3A = arith.constant 0 : index
    %swap3A_6 = vector.load %arg3[%swap3A] : memref<2048xf32, #tpu.memory_space<vmem>>, vector<2048xf32>
    tpu.vector_store %arg3[%swap3A], %reduce_sum3A_5 {strides = array<i32>} : memref<2048xf32, #tpu.memory_space<vmem>>, vector<2048xf32>,
    return
  }
  func.func @transform_0(%arg0: i32) -> (i32, i32) {
    %c0_i32 = arith.constant 0 : i32
    %c0_i32_0 = arith.constant 0 : i32
    return %arg0, %c0_i32 : i32, i32
  }
  func.func @transform_1(%arg0: i32) -> (i32, i32) {
    %c0_i32 = arith.constant 0 : i32
    %c0_i32_0 = arith.constant 0 : i32
    return %arg0, %c0_i32 : i32, i32
  }
  func.func @transform_2(%arg0: i32) -> i32 {
    %c0_i32 = arith.constant 0 : i32
    return %arg0 : i32
  }
}

</mosaic_0001>

<sc_bundles>
// kernel: _run.4.cloned.1.call-start
scs
__scs_entry_jumppad:
0x0: {  	(pc) =	sbr.rel $0x88, $3  }
0x1: {  	(tag) =	ssettag $0x0;
	lr =	simm.s32 $0x1  }
0x2: {  	[smem:$0x3F9D] =	sst lr;
	_ =	strace $0xD0000000  }
0x3: {  	_ = 	snop  }
0x4: {  	_ = 	snop  }
0x5: {  	_ = 	snop  }
0x6: {  	_ = 	snop  }
0x7: {  	_ = 	snop  }
__scs_overlays_trampoline_lowered:
0x8: {  	[smem:$0x3FAC] =	sst s0  }
0x9: {  	[smem:$0x3FAD] =	sst s1  }
0xa: {  	[smem:$0x3FAE] =	sst s2  }
0xb: {  	[smem:$0x3FAF] =	sst s3  }
0xc: {  	[smem:$0x3FB0] =	sst s4  }
0xd: {  	[smem:$0x3FB1] =	sst s5  }
0xe: {  	[smem:$0x3FB2] =	sst s6  }
0xf: {  	[smem:$0x3FB3] =	sst s7  }
0x10: {  	[smem:$0x3FB4] =	sst s8  }
0x11: {  	[smem:$0x3FB5] =	sst s9;
	s0 =	simm.s32 @!p0 $0x0  }
0x12: {  	s1 =	sld [smem:$0x3F9B];
	s0 =	simm.s32 @p0 $0x1  }
0x13: {  	[smem:$0x3FB6] =	sst s0;
	s0 =	simm.s32 @!p1 $0x0  }
0x14: {  	s2 =	sld [smem:$0x3F9A];
	s0 =	simm.s32 @p1 $0x1  }
0x15: {  	[smem:$0x3FB7] =	sst s0;
	s0 =	simm.s32 @!p2 $0x0  }
0x16: {  	s3 =	sld [smem:$0x3FDB];
	s0 =	simm.s32 @p2 $0x1  }
0x17: {  	s4 =	simm.s32 $0x1BF5;
	[smem:$0x3FB9] =	sst s0  }
0x18: {  	s0 =	sld [smem:$0x3F9C];
	_ =	swait.ge [sflag:s4], $0x0  }
0x19: {  	s7 =	sld [smem:$0x3F9D]  }
0x1a: {  	s8 =	sadd.s32 $0xFFFFE003, lr  }
0x1b: {  	s9 =	sadd.s32 $0xFFFFFEF7, lr;
	s5 =	simm.s32 $0xFFFFFFFF;
	p2 =	slt.u32 s8, $0xFFFFF086  }
0x1c: {  	p1 =	slt.u32 s9, $0xF7A;
	s5 =	simm.s32 @!p2 $0x0  }
0x1d: {  	s5 =	simm.s32 @p1 $0x1;
	p0 =	seq.s32 s7, s2  }
0x1e: {  	s7 =	smul.u32 @!p0 $0xF7A, s2;
	p2 =	seq.s32 @!p0 s5, $0x0  }
0x1f: {  	s9 =	smul.u32 $0xF7A, s1;
	s8 =	simm.s32 @!p0 $0x1BF5;
	p2 =	por !p2, p0  }
0x20: {  	[sflag:s8] =	ssyncset.s32 @!p0 $0xFFFFF086;
	s6 =	sadd.s32 @!p0 s3, s7;
	s7 =	simm.s32 @!p0 $0x108  }
0x21: {  	s3 =	sadd.s32 s3, s9;
	s6 =	sadd.s32 @!p0 $0x88, s6;
	s7 =	simm.s32 @p2 $0x1082  }
0x22: {  	[simem:s7], [sflag:s8] =	dma.local @!p0 [hbm:s6], $0xF7A  }
0x23: {  	s9 =	sor.u32 $0xD0000000, s2;
	s6 =	simm.s32 $0x108;
	_ =	swait.ge @!p0 [sflag:s8], $0x0  }
0x24: {  	s3 =	sadd.s32 $0x88, s3;
	s6 =	simm.s32 @!p1 $0x1082;
	[sflag:s4] =	ssyncset.s32 $0xFFFFF086  }
0x25: {  	[simem:s6], [sflag:s4] =	dma.local [hbm:s3], $0xF7A  }
0x26: {  	[smem:$0x3F9D] =	sst s1;
	(tag) =	ssettag s2;
	_ =	strace s9  }
0x27: {  	s1 =	sld [smem:$0x3FAD]  }
0x28: {  	s2 =	sld [smem:$0x3FAE]  }
0x29: {  	s4 =	sld [smem:$0x3FB0]  }
0x2a: {  	p0 =	seq.s32 s5, $0x0;
	s5 =	sld [smem:$0x3FB1]  }
0x2b: {  	s6 =	sld [smem:$0x3FB2]  }
0x2c: {  	s7 =	sld [smem:$0x3FB3]  }
0x2d: {  	s3 =	simm.s32 $0x108;
	s8 =	sld [smem:$0x3FB4]  }
0x2e: {  	s3 =	simm.s32 @!p0 $0x1082;
	s9 =	sld [smem:$0x3FB5]  }
0x2f: {  	lr =	sadd.s32 s0, s3;
	s0 =	sld [smem:$0x3FAC]  }
0x30: {  	s3 =	sld [smem:$0x3FAF]  }
0x31: {  	[smem:$0x3FB8] =	sst s10  }
0x32: {  	s10 =	sld [smem:$0x3FB6];
	_ =	sdelay $0x3  }
0x33: {  	p0 =	seq.s32 s10, $0x1;
	s10 =	sld [smem:$0x3FB8];
	_ =	sdelay $0x3  }
0x34: {  	[smem:$0x3FB8] =	sst s10  }
0x35: {  	s10 =	sld [smem:$0x3FB7];
	_ =	sdelay $0x3  }
0x36: {  	p1 =	seq.s32 s10, $0x1;
	s10 =	sld [smem:$0x3FB8];
	_ =	sdelay $0x3  }
0x37: {  	[smem:$0x3FB8] =	sst s10  }
0x38: {  	s10 =	sld [smem:$0x3FB9]  }
0x39: {  	_ = 	snop;
	(pc) =	sbr.ind lr, $3  }
0x3a: {  	_ = 	snop  }
0x3b: {  	_ = 	snop  }
0x3c: {  	p2 =	seq.s32 s10, $0x1;
	s10 =	sld [smem:$0x3FB8]  }
0x3d: {  	_ =	shalt  }
0x3e: {  	_ =	shalt  }
0x3f: {  	_ =	shalt  }
0x40: {  	_ =	shalt  }
0x41: {  	_ =	shalt  }
0x42: {  	_ =	shalt  }
0x43: {  	_ =	shalt  }
0x44: {  	_ =	shalt  }
0x45: {  	_ =	shalt  }
0x46: {  	_ =	shalt  }
0x47: {  	_ =	shalt  }
0x48: {  	_ =	shalt  }
0x49: {  	_ =	shalt  }
0x4a: {  	_ =	shalt  }
0x4b: {  	_ =	shalt  }
0x4c: {  	_ =	shalt  }
0x4d: {  	_ =	shalt  }
0x4e: {  	_ =	shalt  }
0x4f: {  	_ =	shalt  }
0x50: {  	_ =	shalt  }
0x51: {  	_ =	shalt  }
0x52: {  	_ =	shalt  }
0x53: {  	_ =	shalt  }
0x54: {  	_ =	shalt  }
0x55: {  	_ =	shalt  }
0x56: {  	_ =	shalt  }
0x57: {  	_ =	shalt  }
0x58: {  	_ =	shalt  }
0x59: {  	_ =	shalt  }
0x5a: {  	_ =	shalt  }
0x5b: {  	_ =	shalt  }
0x5c: {  	_ =	shalt  }
0x5d: {  	_ =	shalt  }
0x5e: {  	_ =	shalt  }
0x5f: {  	_ =	shalt  }
0x60: {  	_ =	shalt  }
0x61: {  	_ =	shalt  }
0x62: {  	_ =	shalt  }
0x63: {  	_ =	shalt  }
0x64: {  	_ =	shalt  }
0x65: {  	_ =	shalt  }
0x66: {  	_ =	shalt  }
0x67: {  	_ =	shalt  }
0x68: {  	_ =	shalt  }
0x69: {  	_ =	shalt  }
0x6a: {  	_ =	shalt  }
0x6b: {  	_ =	shalt  }
0x6c: {  	_ =	shalt  }
0x6d: {  	_ =	shalt  }
0x6e: {  	_ =	shalt  }
0x6f: {  	_ =	shalt  }
0x70: {  	_ =	shalt  }
0x71: {  	_ =	shalt  }
0x72: {  	_ =	shalt  }
0x73: {  	_ =	shalt  }
0x74: {  	_ =	shalt  }
0x75: {  	_ =	shalt  }
0x76: {  	_ =	shalt  }
0x77: {  	_ =	shalt  }
0x78: {  	_ =	shalt  }
0x79: {  	_ =	shalt  }
0x7a: {  	_ =	shalt  }
0x7b: {  	_ =	shalt  }
0x7c: {  	_ =	shalt  }
0x7d: {  	_ =	shalt  }
0x7e: {  	_ =	shalt  }
0x7f: {  	_ =	shalt  }
0x80: {  	_ =	shalt  }
0x81: {  	_ =	shalt  }
0x82: {  	_ =	shalt  }
0x83: {  	_ =	shalt  }
0x84: {  	_ =	shalt  }
0x85: {  	_ =	shalt  }
0x86: {  	_ =	shalt  }
0x87: {  	_ =	shalt  }
.Lfunc_end0:
.L_simem_size_0:
called_computation.2_lowered:
.L_overlay_start_0:
0x88: {  	s2 =	sld [smem:$0x3FD9]  }
0x89: {  	s3 =	sld [smem:$0x3FFE];
	_ =	sdelay $0x1  }
0x8a: {  	s1 =	srdreg.scid  }
0x8b: {  	s0 =	sand.u32 $0x1, s1  }
0x8c: {  	s17 =	sshll.u32 s0, $0xA;
	s2 =	sadd.s32 s3, s2  }
0x8d: {  	s2 =	sadd.s32 s2, s17  }
0x8e: {  	[smem:$0x3FC4] =	sst s2  }
0x8f: {  	_ = 	snop  }
0x90: {  	s2 =	sld [smem:$0x3FC9]  }
0x91: {  	s18 =	sld [smem:$0x3FC8];
	(tm) =	ssettm $0x1  }
0x92: {  	s4 =	sld [smem:$0x3FFB];
	_ =	sdelay $0x3  }
0x93: {  	_ =	strace s4  }
0x94: {  	s4 =	sld [smem:$0x3FFC];
	_ =	sdelay $0x3  }
0x95: {  	_ =	strace s4  }
0x96: {  	s4 =	sld [smem:$0x3FFD];
	_ =	sdelay $0x3  }
0x97: {  	_ =	strace s4  }
0x98: {  	_ =	strace $0x8FFFFFFF  }
0x99: {  	s19 =	sld [smem:$0x3FDB];
	_ =	sdelay $0x1  }
0x9a: {  	s5 =	simm.s32 $_scs_section_size  }
0x9b: {  	s6 =	simm.s32 $_size__tile_overlayer_lowered;
	s7 =	simm.s32 $_tile_overlayer_lowered  }
0x9c: {  	s22 =	simm.s32 $0x1BFF;
	s21 =	sshll.u32 s7, $0x1;
	s4 =	sadd.s32 s5, s19  }
0x9d: {  	s8 =	simm.s32 $0x0;
	s20 =	sshll.u32 s6, $0x1;
	s6 =	sadd.s32 s21, s4  }
0x9e: {  	[timem:s8], [sflag:s22] =	dma.local [hbm:s6], s20  }
0x9f: {  	_ =	swait.ge [sflag:s22], s20  }
0xa0: {  	s5 =	ssub.s32 $0x0, s20;
	[sflag:s22] =	ssyncset.done $0x0  }
0xa1: {  	[sflag:s22] =	ssyncadd.s32 s5;
	_ =	sdelay $0x1  }
0xa2: {  	s23 =	simm.s32 $0x1B8B  }
0xa3: {  	_ =	swait.ge [sflag:s23], $0x1  }
0xa4: {  	[sflag:s23] =	ssyncset.done $0x0  }
0xa5: {  	s25 =	simm.s32 $0x1B8E;
	s24 =	sld [smem:$0x3FFE];
	[sflag:s23] =	ssyncadd.s32 $0xFFFFFFFF  }
0xa6: {  	s26 =	simm.s32 $execute0_lowered;
	[smem:$0x3FD2] =	sst s25  }
0xa7: {  	s6 =	sshll.u32 s26, $0x1;
	_ =	strace $0x8000004C;
	[dreg:$0x1] =	wrdreg $0xFFFFFFFF  }
0xa8: {  	s28 =	simm.s32 $_size_execute0_lowered;
	s4 =	sadd.s32 s4, s6;
	[dreg:$0x0] =	wrdreg $0x0  }
0xa9: {  	s6 =	sshll.u32 s28, $0x1;
	[dreg:$0x2] =	wrdreg s4  }
0xaa: {  	[dreg:$0x3] =	wrdreg s6  }
0xab: {  	[dreg:$0x4] =	wrdreg $0xC0  }
0xac: {  	_ =	task [dreg:s8], $0x5FFFF  }
0xad: {  	[dreg:$0x1] =	wrdreg $0xFFFFFFFF  }
0xae: {  	[dreg:$0x0] =	wrdreg $0x60  }
0xaf: {  	[dreg:$0x2] =	wrdreg s2  }
0xb0: {  	[dreg:$0x3] =	wrdreg s18  }
0xb1: {  	[dreg:$0x4] =	wrdreg s24  }
0xb2: {  	[dreg:$0x5] =	wrdreg $0x9  }
0xb3: {  	_ =	task.clear_ibuf [dreg:s8], $0x6FFFF;
	_ =	strace $0x9000004C  }
0xb4: {  	s29 =	simm.s32 $0x9;
	_ =	strace $0x8000004E  }
0xb5: {  	_ =	swait.ge [sflag:s29], $0x1  }
0xb6: {  	[sflag:s29] =	ssyncadd.s32 $0xFFFFFFFF  }
0xb7: {  	_ =	strace $0x9000004E  }
0xb8: {  	_ =	sfence  }
0xb9: {  	s30 =	sld [smem:$0x0];
	_ =	sdelay $0x2  }
0xba: {  	s31 =	sshll.u32 s1, $0xD;
	s1 =	sshrl.u32 s1, $0x2  }
0xbb: {  	s3 =	sand.u32 $0x4000, s31;
	s1 =	sadd.s32 s1, s30  }
0xbc: {  	s0 =	sor.u32 s3, s0;
	s1 =	sshll.u32 s1, $0x11  }
0xbd: {  	s0 =	sor.u32 s1, s0  }
0xbe: {  	s0 =	sadd.s32 $0x8F2B, s0  }
0xbf: {  	[sflag:s0] =	ssyncadd.remote.s32 $0x1  }
0xc0: {  	_ =	sfence.sel $0xFFFF  }
0xc1: {  	[dreg:$0x0] =	wrdreg $0xFFFFFFFF;
	(pc) =	sbr.abs _section_cstart, $3  }
0xc2: {  	[dreg:$0x1] =	wrdreg $0xFFFFFFFF  }
0xc3: {  	_ =	task.clear_ibuf [dreg:s8], $0x2FFFF;
	_ =	strace $0x9FFFFFFF  }
0xc4: {  	(tm) =	ssettm $0x7FFFFFFF  }
0xc5: {  	_ =	shalt  }
tec
execute0_lowered:
.L_overlay_start_1:
0x0: {  	(tag) =	ssettag $0x1  }
0x1: {  	s2 =	srdreg.scid  }
0x2: {  	s1 =	rddreg [dreg:$0x0];
	s0 =	stileid.u32;
	s31 =	sand.u32 $0x1, s2  }
0x3: {  	s5 =	rddreg [dreg:$0x1];
	s3 =	sshll.u32 s0, $0xA;
	s4 =	sshll.u32 s31, $0x9  }
0x4: {  	s16 =	rddreg [dreg:$0x2];
	s2 =	simm.s32 $0x0;
	s14 =	sor.u32 s4, s3  }
0x5: {  	[smem:$0x7FF] =	sst s2;
	s6 =	sshrl.u32 s14, $0x3  }
0x6: {  	_ =	strace $0x8000004D;
	s4 =	simm.s32 $0x4;
	s3 =	sadd.s32 s1, s6  }
0x7: {  	[tilespmem:s2], [sflag:$0x4] =	stream.linear.gather [hbm4b:s3+s2], $0x200, $0x38;
	[tilespmem:$0x10400] =	vst v63  }
0x8: {  	_ =	swait.ge [sflag:s4], $0x200  }
0x9: {  	[sflag:s4] =	ssyncset.done $0x0  }
0xa: {  	s5 =	sadd.s32 s5, s6;
	s6 =	simm.s32 $0x200;
	[sflag:s4] =	ssyncadd.s32 $0xFFFFFE00  }
0xb: {  	[tilespmem:s6], [sflag:$0x4] =	stream.linear.gather [hbm4b:s5+s2], $0x200, $0x38;
	[tilespmem:$0x10400] =	vst v63  }
0xc: {  	_ =	swait.ge [sflag:s4], $0x200  }
0xd: {  	s8 =	simm.s32 $0x80;
	[sflag:s4] =	ssyncset.done $0x0  }
0xe: {  	s9 =	simm.s32 $0x400;
	s7 =	sadd.s32 $0x1E85C00, s16;
	[sflag:s4] =	ssyncadd.s32 $0xFFFFFE00  }
0xf: {  	[tilespmem:s9], [sflag:$0x1] =	stream.indirect.gather [hbm4b:s7+s8], $0x80, s2, s8, $0xb8;
	[tilespmem:$0x10400] =	vst v63  }
0x10: {  	s11 =	simm.s32 $0x4400;
	s12 =	simm.s32 $0x1;
	s10 =	sadd.s32 $0x1400, s16  }
0x11: {  	[tilespmem:s11], [sflag:$0x1] =	stream.indirect.gather [hbm4b:s10+s8], $0x80, s6, s8, $0xb8;
	[tilespmem:$0x10400] =	vst v63  }
0x12: {  	_ =	swait.ge [sflag:s12], $0x4000  }
0x13: {  	[sflag:s12] =	ssyncset.done $0x0  }
0x14: {  	[sflag:s12] =	ssyncadd.s32 $0xFFFFC000  }
0x15: {  	_ =	swait.ge [sflag:s12], $0x4000  }
0x16: {  	[sflag:s12] =	ssyncset.done $0x0  }
0x17: {  	s13 =	simm.s32 $0x8400;
	s15 =	simm.s32 $0xC400;
	[sflag:s12] =	ssyncadd.s32 $0xFFFFC000  }
0x18: {  	[tilespmem:s13], [sflag:$0x2] =	stream.indirect.gather [hbm4b:s7+s8], $0x80, s8, s8, $0xb8;
	[tilespmem:$0x10400] =	vst v63  }
0x19: {  	s29 =	sadd.s32 $0xF43800, s16;
	s1 =	sshll.u32 s14, $0x4;
	s14 =	simm.s32 $0x280  }
0x1a: {  	[tilespmem:s15], [sflag:$0x2] =	stream.indirect.gather [hbm4b:s10+s8], $0x80, s14, s8, $0xb8;
	[tilespmem:$0x10400] =	vst v63  }
0x1b: {  	s30 =	sadd.s32 $0xF83800, s16;
	s16 =	sadd.s32 s29, s1  }
0x1c: {  	[hbm4b:s16+s2] =	stream.linear.scatter [tilespmem:s9], [sflag:$0x3], $0x4000, $0x38;
	[tilespmem:$0x10400] =	vst v63  }
0x1d: {  	s18 =	simm.s32 $0x2;
	s17 =	sadd.s32 s30, s1  }
0x1e: {  	[hbm4b:s17+s2] =	stream.linear.scatter [tilespmem:s11], [sflag:$0x3], $0x4000, $0x38;
	[tilespmem:$0x10400] =	vst v63  }
0x1f: {  	_ =	swait.ge [sflag:s18], $0x4000  }
0x20: {  	[sflag:s18] =	ssyncset.done $0x0  }
0x21: {  	[sflag:s18] =	ssyncadd.s32 $0xFFFFC000  }
0x22: {  	_ =	swait.ge [sflag:s18], $0x4000  }
0x23: {  	[sflag:s18] =	ssyncset.done $0x0  }
0x24: {  	s19 =	simm.s32 $0x100;
	[sflag:s18] =	ssyncadd.s32 $0xFFFFC000  }
0x25: {  	[tilespmem:s9], [sflag:$0x1] =	stream.indirect.gather [hbm4b:s7+s8], $0x80, s19, s8, $0xb8;
	[tilespmem:$0x10400] =	vst v63  }
0x26: {  	s21 =	simm.s32 $0x300;
	s20 =	simm.s32 $0x3  }
0x27: {  	[tilespmem:s11], [sflag:$0x1] =	stream.indirect.gather [hbm4b:s10+s8], $0x80, s21, s8, $0xb8;
	[tilespmem:$0x10400] =	vst v63  }
0x28: {  	_ =	swait.ge [sflag:s20], $0x4000  }
0x29: {  	[sflag:s20] =	ssyncset.done $0x0  }
0x2a: {  	[sflag:s20] =	ssyncadd.s32 $0xFFFFC000  }
0x2b: {  	_ =	swait.ge [sflag:s20], $0x4000  }
0x2c: {  	s23 =	sor.u32 $0x800, s1;
	[sflag:s20] =	ssyncset.done $0x0  }
0x2d: {  	s22 =	sadd.s32 s29, s23;
	[sflag:s20] =	ssyncadd.s32 $0xFFFFC000  }
0x2e: {  	[hbm4b:s22+s2] =	stream.linear.scatter [tilespmem:s13], [sflag:$0x3], $0x4000, $0x38;
	[tilespmem:$0x10400] =	vst v63  }
0x2f: {  	s23 =	sadd.s32 s30, s23  }
0x30: {  	[hbm4b:s23+s2] =	stream.linear.scatter [tilespmem:s15], [sflag:$0x3], $0x4000, $0x38;
	[tilespmem:$0x10400] =	vst v63  }
0x31: {  	_ =	swait.ge [sflag:s12], $0x4000  }
0x32: {  	[sflag:s12] =	ssyncset.done $0x0  }
0x33: {  	[sflag:s12] =	ssyncadd.s32 $0xFFFFC000  }
0x34: {  	_ =	swait.ge [sflag:s12], $0x4000  }
0x35: {  	[sflag:s12] =	ssyncset.done $0x0  }
0x36: {  	s24 =	simm.s32 $0x180;
	[sflag:s12] =	ssyncadd.s32 $0xFFFFC000  }
0x37: {  	[tilespmem:s13], [sflag:$0x2] =	stream.indirect.gather [hbm4b:s7+s8], $0x80, s24, s8, $0xb8;
	[tilespmem:$0x10400] =	vst v63  }
0x38: {  	s25 =	simm.s32 $0x380  }
0x39: {  	[tilespmem:s15], [sflag:$0x2] =	stream.indirect.gather [hbm4b:s10+s8], $0x80, s25, s8, $0xb8;
	[tilespmem:$0x10400] =	vst v63  }
0x3a: {  	_ =	swait.ge [sflag:s20], $0x4000  }
0x3b: {  	[sflag:s20] =	ssyncset.done $0x0  }
0x3c: {  	[sflag:s20] =	ssyncadd.s32 $0xFFFFC000  }
0x3d: {  	_ =	swait.ge [sflag:s20], $0x4000  }
0x3e: {  	s28 =	sor.u32 $0x1000, s1;
	[sflag:s20] =	ssyncset.done $0x0  }
0x3f: {  	s26 =	sadd.s32 s29, s28;
	[sflag:s20] =	ssyncadd.s32 $0xFFFFC000  }
0x40: {  	[hbm4b:s26+s2] =	stream.linear.scatter [tilespmem:s9], [sflag:$0x3], $0x4000, $0x38;
	[tilespmem:$0x10400] =	vst v63  }
0x41: {  	s28 =	sadd.s32 s30, s28  }
0x42: {  	[hbm4b:s28+s2] =	stream.linear.scatter [tilespmem:s11], [sflag:$0x3], $0x4000, $0x38;
	[tilespmem:$0x10400] =	vst v63  }
0x43: {  	_ =	swait.ge [sflag:s18], $0x4000  }
0x44: {  	[sflag:s18] =	ssyncset.done $0x0  }
0x45: {  	[sflag:s18] =	ssyncadd.s32 $0xFFFFC000  }
0x46: {  	_ =	swait.ge [sflag:s18], $0x4000  }
0x47: {  	[sflag:s18] =	ssyncset.done $0x0  }
0x48: {  	[sflag:s18] =	ssyncadd.s32 $0xFFFFC000  }
0x49: {  	s1 =	sor.u32 $0x1800, s1;
	_ =	swait.ge [sflag:s20], $0x4000  }
0x4a: {  	s29 =	sadd.s32 s29, s1;
	[sflag:s20] =	ssyncset.done $0x0  }
0x4b: {  	s30 =	sadd.s32 s30, s1;
	s1 =	ssub.s32 $0x2, s31;
	[sflag:s20] =	ssyncadd.s32 $0xFFFFC000  }
0x4c: {  	s31 =	sshrl.u32 s1, $0x1;
	_ =	swait.ge [sflag:s20], $0x4000  }
0x4d: {  	s1 =	ssub.s32 s1, s31;
	[sflag:s20] =	ssyncset.done $0x0  }
0x4e: {  	s1 =	smax.u32 s1, $0x1;
	[sflag:s20] =	ssyncadd.s32 $0xFFFFC000  }
0x4f: {  	[hbm4b:s29+s2] =	stream.linear.scatter [tilespmem:s13], [sflag:$0x3], $0x4000, $0x38;
	[tilespmem:$0x10400] =	vst v63  }
0x50: {  	p0 =	sne.s32 s1, $0x1  }
0x51: {  	[hbm4b:s30+s2] =	stream.linear.scatter [tilespmem:s15], [sflag:$0x3], $0x4000, $0x38;
	[tilespmem:$0x10400] =	vst v63  }
.Ltmp0:
0x52: {  	_ =	swait.ge [sflag:s20], $0x4000;
	(pc) =	sbr.rel @!p0 .LBB2_2-.Ltmp0, $4  }
0x53: {  	[sflag:s20] =	ssyncset.done $0x0  }
0x54: {  	[sflag:s20] =	ssyncadd.s32 $0xFFFFC000  }
0x55: {  	_ =	swait.ge [sflag:s20], $0x4000  }
0x56: {  	s31 =	sadd.s32 $0xFFFFFFFF, s1;
	[sflag:s20] =	ssyncset.done $0x0  }
.LBB2_1:
0x57: {  	p0 =	sne.s32 s31, $0x1;
	s31 =	sadd.s32 $0xFFFFFFFF, s31;
	[sflag:s20] =	ssyncadd.s32 $0xFFFFC000  }
0x58: {  	[tilespmem:s2], [sflag:$0x4] =	stream.linear.gather [hbm4b:s3+s2], $0x200, $0x38;
	[tilespmem:$0x10400] =	vst v63  }
0x59: {  	_ =	swait.ge [sflag:s4], $0x200  }
0x5a: {  	[sflag:s4] =	ssyncset.done $0x0  }
0x5b: {  	[sflag:s4] =	ssyncadd.s32 $0xFFFFFE00  }
0x5c: {  	[tilespmem:s6], [sflag:$0x4] =	stream.linear.gather [hbm4b:s5+s2], $0x200, $0x38;
	[tilespmem:$0x10400] =	vst v63  }
0x5d: {  	_ =	swait.ge [sflag:s4], $0x200  }
0x5e: {  	[sflag:s4] =	ssyncset.done $0x0  }
0x5f: {  	[sflag:s4] =	ssyncadd.s32 $0xFFFFFE00  }
0x60: {  	[tilespmem:s9], [sflag:$0x1] =	stream.indirect.gather [hbm4b:s7+s8], $0x80, s2, s8, $0xb8;
	[tilespmem:$0x10400] =	vst v63  }
0x61: {  	_ = 	snop  }
0x62: {  	[tilespmem:s11], [sflag:$0x1] =	stream.indirect.gather [hbm4b:s10+s8], $0x80, s6, s8, $0xb8;
	[tilespmem:$0x10400] =	vst v63  }
0x63: {  	_ =	swait.ge [sflag:s12], $0x4000  }
0x64: {  	[sflag:s12] =	ssyncset.done $0x0  }
0x65: {  	[sflag:s12] =	ssyncadd.s32 $0xFFFFC000  }
0x66: {  	_ =	swait.ge [sflag:s12], $0x4000  }
0x67: {  	[sflag:s12] =	ssyncset.done $0x0  }
0x68: {  	[sflag:s12] =	ssyncadd.s32 $0xFFFFC000  }
0x69: {  	[tilespmem:s13], [sflag:$0x2] =	stream.indirect.gather [hbm4b:s7+s8], $0x80, s8, s8, $0xb8;
	[tilespmem:$0x10400] =	vst v63  }
0x6a: {  	_ = 	snop  }
0x6b: {  	[tilespmem:s15], [sflag:$0x2] =	stream.indirect.gather [hbm4b:s10+s8], $0x80, s14, s8, $0xb8;
	[tilespmem:$0x10400] =	vst v63  }
0x6c: {  	_ = 	snop  }
0x6d: {  	[hbm4b:s16+s2] =	stream.linear.scatter [tilespmem:s9], [sflag:$0x3], $0x4000, $0x38;
	[tilespmem:$0x10400] =	vst v63  }
0x6e: {  	_ = 	snop  }
0x6f: {  	[hbm4b:s17+s2] =	stream.linear.scatter [tilespmem:s11], [sflag:$0x3], $0x4000, $0x38;
	[tilespmem:$0x10400] =	vst v63  }
0x70: {  	_ =	swait.ge [sflag:s18], $0x4000  }
0x71: {  	[sflag:s18] =	ssyncset.done $0x0  }
0x72: {  	[sflag:s18] =	ssyncadd.s32 $0xFFFFC000  }
0x73: {  	_ =	swait.ge [sflag:s18], $0x4000  }
0x74: {  	[sflag:s18] =	ssyncset.done $0x0  }
0x75: {  	[sflag:s18] =	ssyncadd.s32 $0xFFFFC000  }
0x76: {  	[tilespmem:s9], [sflag:$0x1] =	stream.indirect.gather [hbm4b:s7+s8], $0x80, s19, s8, $0xb8;
	[tilespmem:$0x10400] =	vst v63  }
0x77: {  	_ = 	snop  }
0x78: {  	[tilespmem:s11], [sflag:$0x1] =	stream.indirect.gather [hbm4b:s10+s8], $0x80, s21, s8, $0xb8;
	[tilespmem:$0x10400] =	vst v63  }
0x79: {  	_ =	swait.ge [sflag:s20], $0x4000  }
0x7a: {  	[sflag:s20] =	ssyncset.done $0x0  }
0x7b: {  	[sflag:s20] =	ssyncadd.s32 $0xFFFFC000  }
0x7c: {  	_ =	swait.ge [sflag:s20], $0x4000  }
0x7d: {  	[sflag:s20] =	ssyncset.done $0x0  }
0x7e: {  	[sflag:s20] =	ssyncadd.s32 $0xFFFFC000  }
0x7f: {  	[hbm4b:s22+s2] =	stream.linear.scatter [tilespmem:s13], [sflag:$0x3], $0x4000, $0x38;
	[tilespmem:$0x10400] =	vst v63  }
0x80: {  	_ = 	snop  }
0x81: {  	[hbm4b:s23+s2] =	stream.linear.scatter [tilespmem:s15], [sflag:$0x3], $0x4000, $0x38;
	[tilespmem:$0x10400] =	vst v63  }
0x82: {  	_ =	swait.ge [sflag:s12], $0x4000  }
0x83: {  	[sflag:s12] =	ssyncset.done $0x0  }
0x84: {  	[sflag:s12] =	ssyncadd.s32 $0xFFFFC000  }
0x85: {  	_ =	swait.ge [sflag:s12], $0x4000  }
0x86: {  	[sflag:s12] =	ssyncset.done $0x0  }
0x87: {  	[sflag:s12] =	ssyncadd.s32 $0xFFFFC000  }
0x88: {  	[tilespmem:s13], [sflag:$0x2] =	stream.indirect.gather [hbm4b:s7+s8], $0x80, s24, s8, $0xb8;
	[tilespmem:$0x10400] =	vst v63  }
0x89: {  	_ = 	snop  }
0x8a: {  	[tilespmem:s15], [sflag:$0x2] =	stream.indirect.gather [hbm4b:s10+s8], $0x80, s25, s8, $0xb8;
	[tilespmem:$0x10400] =	vst v63  }
0x8b: {  	_ =	swait.ge [sflag:s20], $0x4000  }
0x8c: {  	[sflag:s20] =	ssyncset.done $0x0  }
0x8d: {  	[sflag:s20] =	ssyncadd.s32 $0xFFFFC000  }
0x8e: {  	_ =	swait.ge [sflag:s20], $0x4000  }
0x8f: {  	[sflag:s20] =	ssyncset.done $0x0  }
0x90: {  	[sflag:s20] =	ssyncadd.s32 $0xFFFFC000  }
0x91: {  	[hbm4b:s26+s2] =	stream.linear.scatter [tilespmem:s9], [sflag:$0x3], $0x4000, $0x38;
	[tilespmem:$0x10400] =	vst v63  }
0x92: {  	_ = 	snop  }
0x93: {  	[hbm4b:s28+s2] =	stream.linear.scatter [tilespmem:s11], [sflag:$0x3], $0x4000, $0x38;
	[tilespmem:$0x10400] =	vst v63  }
0x94: {  	_ =	swait.ge [sflag:s18], $0x4000  }
0x95: {  	[sflag:s18] =	ssyncset.done $0x0  }
0x96: {  	[sflag:s18] =	ssyncadd.s32 $0xFFFFC000  }
0x97: {  	_ =	swait.ge [sflag:s18], $0x4000  }
0x98: {  	[sflag:s18] =	ssyncset.done $0x0  }
0x99: {  	[sflag:s18] =	ssyncadd.s32 $0xFFFFC000  }
0x9a: {  	_ =	swait.ge [sflag:s20], $0x4000  }
0x9b: {  	[sflag:s20] =	ssyncset.done $0x0  }
0x9c: {  	[sflag:s20] =	ssyncadd.s32 $0xFFFFC000  }
0x9d: {  	_ =	swait.ge [sflag:s20], $0x4000  }
0x9e: {  	[sflag:s20] =	ssyncset.done $0x0  }
0x9f: {  	[sflag:s20] =	ssyncadd.s32 $0xFFFFC000  }
0xa0: {  	[hbm4b:s29+s2] =	stream.linear.scatter [tilespmem:s13], [sflag:$0x3], $0x4000, $0x38;
	[tilespmem:$0x10400] =	vst v63  }
0xa1: {  	_ = 	snop  }
0xa2: {  	[hbm4b:s30+s2] =	stream.linear.scatter [tilespmem:s15], [sflag:$0x3], $0x4000, $0x38;
	[tilespmem:$0x10400] =	vst v63  }
.Ltmp1:
0xa3: {  	_ =	swait.ge [sflag:s20], $0x4000;
	(pc) =	sbr.rel @p0 .LBB2_1-.Ltmp1, $4  }
0xa4: {  	[sflag:s20] =	ssyncset.done $0x0  }
0xa5: {  	[sflag:s20] =	ssyncadd.s32 $0xFFFFC000  }
0xa6: {  	_ =	swait.ge [sflag:s20], $0x4000  }
0xa7: {  	[sflag:s20] =	ssyncset.done $0x0  }
.LBB2_2:
0xa8: {  	[sflag:s20] =	ssyncadd.s32 $0xFFFFC000  }
0xa9: {  	_ =	sfence.sel $0x180000  }
0xaa: {  	[bflag:$0x0] =	sbarrier.arrive $0xFFFF  }
0xab: {  	_ =	strace $0x9000004D  }
0xac: {  	[bflag:$0x2] =	sbarrier.arrive $0xFFFF  }
0xad: {  	p0 =	sne.s32 s0, $0x0;
	s0 =	rddreg [dreg:$0x3]  }
0xae: {  	s0 =	sadd.s32 @!p0 $0x100000, s0  }
0xaf: {  	[sflag:s0] =	ssyncadd.tile.s32 @!p0 $0x1;
	_ =	shalt  }
.Lfunc_end2:
_tile_overlayer_lowered:
.L_overlay_start_2:
0xb0: {  	(tag) =	ssettag $0x2  }
0xb1: {  	s0 =	rddreg [dreg:$0x0];
	s2 =	stileid.u32  }
0xb2: {  	s1 =	rddreg [dreg:$0x1];
	p0 =	sne.s32 s2, $0x0  }
0xb3: {  	s3 =	rddreg [dreg:$0x2];
	[bflag:$0x3] =	sbarrier.arrive $0xFFFF;
	s2 =	simm.s32 @!p0 $0x1C04  }
0xb4: {  	[timem:s3], [sflag:s2] =	dma.local @!p0 [hbm:s0], s1  }
0xb5: {  	s0 =	simm.s32 @!p0 $0x4  }
0xb6: {  	_ =	swait.ge @!p0 [sflag:s0], s1  }
0xb7: {  	s1 =	ssub.s32 @!p0 $0x0, s1;
	[sflag:s0] =	ssyncset.done @!p0 $0x0  }
0xb8: {  	[sflag:s0] =	ssyncadd.s32 @!p0 s1  }
0xb9: {  	[bflag:$0x3] =	sbarrier.arrive $0xFFFF  }
0xba: {  	_ =	shalt  }

// kernel: sparse-core-data-format-call.1.cloned.1.call-start
scs
called_computation.1_lowered:
.L_overlay_start_0:
0x0: {  	s2 =	sld [smem:$0x3FD9]  }
0x1: {  	s3 =	sld [smem:$0x3FFE];
	_ =	sdelay $0x1  }
0x2: {  	s1 =	srdreg.scid  }
0x3: {  	s0 =	sand.u32 $0x1, s1  }
0x4: {  	s18 =	sshll.u32 s0, $0xA;
	s2 =	sadd.s32 s3, s2  }
0x5: {  	s2 =	sadd.s32 s2, s18  }
0x6: {  	[smem:$0x3FC4] =	sst s2  }
0x7: {  	_ = 	snop  }
0x8: {  	s2 =	sld [smem:$0x3FC7];
	(tm) =	ssettm $0x1  }
0x9: {  	s19 =	sld [smem:$0x3FFB];
	_ =	sdelay $0x3  }
0xa: {  	_ =	strace s19  }
0xb: {  	s3 =	sld [smem:$0x3FFC];
	_ =	sdelay $0x3  }
0xc: {  	_ =	strace s3  }
0xd: {  	s3 =	sld [smem:$0x3FFD];
	_ =	sdelay $0x3  }
0xe: {  	_ =	strace s3  }
0xf: {  	_ =	strace $0x8FFFFFFF  }
0x10: {  	s20 =	sld [smem:$0x3FDB];
	_ =	sdelay $0x1  }
0x11: {  	s4 =	simm.s32 $_scs_section_size  }
0x12: {  	s5 =	simm.s32 $_size__tile_overlayer_lowered;
	s6 =	simm.s32 $_tile_overlayer_lowered  }
0x13: {  	s23 =	simm.s32 $0x1BFF;
	s22 =	sshll.u32 s6, $0x1;
	s3 =	sadd.s32 s4, s20  }
0x14: {  	s7 =	simm.s32 $0x0;
	s21 =	sshll.u32 s5, $0x1;
	s5 =	sadd.s32 s22, s3  }
0x15: {  	[timem:s7], [sflag:s23] =	dma.local [hbm:s5], s21  }
0x16: {  	_ =	swait.ge [sflag:s23], s21  }
0x17: {  	s4 =	ssub.s32 $0x0, s21;
	[sflag:s23] =	ssyncset.done $0x0  }
0x18: {  	[sflag:s23] =	ssyncadd.s32 s4;
	_ =	sdelay $0x1  }
0x19: {  	s24 =	simm.s32 $0x1B8B  }
0x1a: {  	_ =	swait.ge [sflag:s24], $0x1  }
0x1b: {  	[sflag:s24] =	ssyncset.done $0x0  }
0x1c: {  	s26 =	simm.s32 $0x1B8E;
	s25 =	sld [smem:$0x3FFE];
	[sflag:s24] =	ssyncadd.s32 $0xFFFFFFFF  }
0x1d: {  	s27 =	simm.s32 $execute0_lowered;
	[smem:$0x3FD2] =	sst s26  }
0x1e: {  	s5 =	sshll.u32 s27, $0x1;
	_ =	strace $0x80000046;
	[dreg:$0x1] =	wrdreg $0xFFFFFFFF  }
0x1f: {  	s28 =	simm.s32 $_size_execute0_lowered;
	s3 =	sadd.s32 s3, s5;
	[dreg:$0x0] =	wrdreg $0x0  }
0x20: {  	s5 =	sshll.u32 s28, $0x1;
	[dreg:$0x2] =	wrdreg s3  }
0x21: {  	[dreg:$0x3] =	wrdreg s5  }
0x22: {  	[dreg:$0x4] =	wrdreg $0xC0  }
0x23: {  	_ =	task [dreg:s7], $0x5FFFF  }
0x24: {  	[dreg:$0x1] =	wrdreg $0xFFFFFFFF  }
0x25: {  	[dreg:$0x0] =	wrdreg $0x60  }
0x26: {  	[dreg:$0x2] =	wrdreg s2  }
0x27: {  	[dreg:$0x3] =	wrdreg s25  }
0x28: {  	[dreg:$0x4] =	wrdreg $0xA  }
0x29: {  	_ =	task.clear_ibuf [dreg:s7], $0x5FFFF;
	_ =	strace $0x90000046  }
0x2a: {  	s29 =	simm.s32 $0xA;
	_ =	strace $0x80000048  }
0x2b: {  	_ =	swait.ge [sflag:s29], $0x1  }
0x2c: {  	[sflag:s29] =	ssyncadd.s32 $0xFFFFFFFF  }
0x2d: {  	_ =	strace $0x90000048  }
0x2e: {  	_ =	sfence  }
0x2f: {  	s30 =	sld [smem:$0x0];
	_ =	sdelay $0x2  }
0x30: {  	s31 =	sshll.u32 s1, $0xD;
	s1 =	sshrl.u32 s1, $0x2  }
0x31: {  	s3 =	sand.u32 $0x4000, s31;
	s1 =	sadd.s32 s1, s30  }
0x32: {  	s0 =	sor.u32 s3, s0;
	s1 =	sshll.u32 s1, $0x11  }
0x33: {  	s0 =	sor.u32 s1, s0  }
0x34: {  	s0 =	sadd.s32 $0x8F2B, s0  }
0x35: {  	[sflag:s0] =	ssyncadd.remote.s32 $0x1  }
0x36: {  	_ =	sfence.sel $0xFFFF  }
0x37: {  	[dreg:$0x0] =	wrdreg $0xFFFFFFFF;
	(pc) =	sbr.abs _section_cstart, $3  }
0x38: {  	[dreg:$0x1] =	wrdreg $0xFFFFFFFF  }
0x39: {  	_ =	task.clear_ibuf [dreg:s7], $0x2FFFF;
	_ =	strace $0x9FFFFFFF  }
0x3a: {  	(tm) =	ssettm $0x7FFFFFFF  }
0x3b: {  	_ =	shalt  }
tec
execute0_lowered:
.L_overlay_start_1:
0x0: {  	(tag) =	ssettag $0x1  }
0x1: {  	s0 =	srdreg.scid;
	s2 =	rddreg [dreg:$0x0]  }
0x2: {  	s5 =	rddreg [dreg:$0x1];
	s1 =	stileid.u32  }
0x3: {  	s4 =	simm.s32 $0x1;
	s6 =	simm.s32 $0x2;
	s15 =	simm.s32 $0x0  }
0x4: {  	p0 =	por $0x0, $0x0;
	s8 =	simm.s32 $0x80;
	s0 =	sshll.u32 s0, $0x4  }
0x5: {  	s14 =	simm.s32 $0x0;
	s9 =	simm.s32 $0x0;
	s3 =	sand.u32 $0x10, s0  }
.Ltmp0:
0x6: {  	s10 =	simm.s32 $0x0;
	s3 =	sor.u32 s1, s3;
	(pc) =	sbr.rel .LBB1_1-.Ltmp0, $4  }
0x7: {  	s0 =	rddreg [dreg:$0x2];
	_ =	strace $0x80000047;
	s3 =	sshll.u32 s3, $0x7  }
0x8: {  	s12 =	simm.s32 $0x0;
	[sflag:s4] =	ssyncpa.u1 $0x0;
	s7 =	ssub.s32 $0xF4200, s3  }
0x9: {  	s13 =	simm.s32 $0x0;
	[sflag:s6] =	ssyncpa.u1 $0x0;
	s6 =	sshrl.u32 s7, $0xC  }
0xa: {  	s5 =	sadd.s32 $0x1400, s5;
	s11 =	smov.u32 s3;
	s7 =	sadd.s32 $0x2, s6  }
.LBB1_5:
0xb: {  	p1 =	slt.u32 s13, $0x2  }
0xc: {  	s17 =	smov.u32 s15;
	p2 =	sgt.s32 @!p1 s15, $0xF41C0;
	s16 =	sshra.s32 @!p1 s15, $0x1F  }
0xd: {  	p3 =	sgt.s32 @!p1 s14, $0x40;
	s18 =	sshra.s32 @!p1 s14, $0x1F;
	p2 =	por !p2, p1  }
0xe: {  	s15 =	sand.u32 @!p1 s16, s15;
	p3 =	por !p3, p1;
	s16 =	smov.u32 s14  }
0xf: {  	s14 =	sand.u32 @!p1 s18, s14;
	s17 =	simm.s32 @p2 $0xF41C0;
	s16 =	simm.s32 @p3 $0x40  }
0x10: {  	s15 =	ssub.s32 @!p1 s17, s15;
	s14 =	ssub.s32 @!p1 s16, s14  }
0x11: {  	s18 =	smov.u32 s12;
	s16 =	sadd.s32 @!p1 $0xFFF0BE40, s15;
	s17 =	sadd.s32 @!p1 $0xFFFFFFC0, s14  }
0x12: {  	s15 =	ssub.s32 @!p1 $0xF4240, s15;
	p2 =	sgt.s32 @!p1 s16, $0x7F;
	p3 =	sgt.s32 @!p1 s17, $0x3F  }
0x13: {  	s14 =	ssub.s32 @!p1 $0x80, s14;
	p2 =	por !p2, p1;
	p3 =	por !p3, p1  }
0x14: {  	s16 =	sadd.s32 $0x1000, s11;
	s15 =	simm.s32 @!p2 $0x0;
	s14 =	simm.s32 @!p3 $0x0  }
0x15: {  	p2 =	sgt.s32 s16, $0xF423F;
	s14 =	smul.u32 @!p1 s14, s15;
	s15 =	sadd.s32 $0x40, s12  }
0x16: {  	s18 =	smov.u32 @p2 s15  }
0x17: {  	s16 =	smov.u32 @p2 s3;
	p2 =	sgt.s32 s18, $0x3F  }
0x18: {  	s18 =	simm.s32 @p2 $0x0;
	p2 =	sne.s32 s13, s7  }
.Ltmp1:
0x19: {  	p0 =	por !p0, !p0;
	s17 =	simm.s32 @!p1 $0x2;
	(pc) =	sbr.rel @!p2 .LBB1_6-.Ltmp1, $4  }
0x1a: {  	s15 =	smov.u32 s9;
	s9 =	smov.u32 s11;
	s14 =	sand.u32 @!p1 $0x3FFFFFFF, s14  }
0x1b: {  	s11 =	smov.u32 s16;
	_ =	swait.ge @!p1 [sflag:s17], s14;
	s19 =	ssub.s32 @!p1 $0x0, s14  }
0x1c: {  	s14 =	smov.u32 s10;
	s13 =	sadd.s32 $0x1, s13;
	[sflag:s17] =	ssyncset.done @!p1 $0x0  }
0x1d: {  	s10 =	smov.u32 s12;
	s12 =	smov.u32 s18;
	[sflag:s17] =	ssyncadd.s32 @!p1 s19  }
.LBB1_1:
0x1e: {  	p1 =	sgt.u32 s13, s6  }
0x1f: {  	s16 =	sshrl.u32 @!p1 s12, $0x3  }
0x20: {  	s17 =	sshll.u32 @!p1 s11, $0x3;
	s16 =	smul.u32 @!p1 $0x7A1400, s16  }
0x21: {  	s18 =	sshll.u32 @!p1 s12, $0x7;
	s17 =	sand.u32 @!p1 $0xFFFFFC00, s17  }
0x22: {  	s16 =	sadd.s32 @!p1 s16, s17;
	s17 =	sand.u32 @!p1 $0x380, s18  }
0x23: {  	s18 =	sand.u32 @!p1 $0x7F, s11;
	s16 =	sor.u32 @!p1 s17, s16  }
0x24: {  	s17 =	sor.u32 @!p1 s18, s16  }
0x25: {  	s18 =	smulhi.u32 @!p1 $0x218D6287, s17;
	_ =	sdelay $0x1  }
0x26: {  	s16 =	smulhi.u32 @!p1 $0x218D6287, s16;
	s18 =	sshrl.u32 @!p1 s18, $0x11  }
0x27: {  	s18 =	smul.u32 @!p1 $0xF4280, s18  }
0x28: {  	s19 =	sxor.u32 @!p1 $0xFFFFFFFF, s13;
	s16 =	sshrl.u32 @!p1 s16, $0x11  }
0x29: {  	s19 =	sshll.u32 @!p1 s19, $0xD;
	s16 =	sand.u32 @!p1 $0x3F, s16;
	s17 =	ssub.s32 @!p1 s17, s18  }
0x2a: {  	s16 =	smul.u32 @!p1 $0x1E850, s16;
	s18 =	sshrl.u32 @!p1 s17, $0x3;
	s17 =	sand.u32 @!p1 $0x7, s17  }
0x2b: {  	s19 =	sand.u32 @!p1 $0x2000, s19;
	s18 =	sadd.s32 @!p1 s2, s18;
	s17 =	sshll.u32 @!p1 s17, $0x12  }
0x2c: {  	s16 =	sadd.s32 @!p1 s16, s18;
	s17 =	sor.u32 @!p1 $0x400, s17;
	s18 =	simm.s32 @!p1 $0x7A1400  }
0x2d: {  	[tilespmem:s19], [sflag:$0x1] =	stream.strided.gather @!p1 [hbm4b:s16+s17], $0x2000, s18, s17, $0x38;
	[tilespmem:$0x8100] =	vst v63  }
0x2e: {  	p1 =	seq.s32 s13, $0x0  }
0x2f: {  	p2 =	sge.u32 @!p1 s13, s7  }
0x30: {  	p1 =	por p1, p2  }
.Ltmp2:
0x31: {  	_ = 	snop;
	(pc) =	sbr.rel @p1 .LBB1_5-.Ltmp2, $1  }
0x32: {  	_ =	sdelay $0x3  }
0x33: {  	s16 =	simm.s32 $0x1  }
0x34: {  	_ =	swait.ge [sflag:s4], $0x2000;
	s16 =	simm.s32 @!p0 $0x0  }
0x35: {  	[sflag:s4] =	ssyncset.done $0x0;
	s17 =	sshll.u32 s16, $0xD  }
0x36: {  	[sflag:s4] =	ssyncadd.s32 $0xFFFFE000;
	s17 =	sor.u32 $0x40, s17  }
0x37: {  	s16 =	smul.u32 $0x8200, s16;
	v0 =	vld [tilespmem:s17+$0x30]  }
0x38: {  	v1 =	vld [tilespmem:s17+$0xFFFFFFD0]  }
0x39: {  	s16 =	sshrl.u32 s16, $0x2;
	v5 =	vld [tilespmem:s17+$0xFFFFFFE0]  }
0x3a: {  	v6 =	vld [tilespmem:s17+$0xFFFFFFF0];
	s19 =	sor.u32 $0x4000, s16  }
0x3b: {  	s31 =	sand.u32 $0x1, s13;
	v4 =	vld [tilespmem:s17+$0x0];
	s18 =	sadd.s32 $0x0, s19  }
0x3c: {  	v3 =	vld [tilespmem:s17+$0x10];
	s16 =	smul.u32 $0x8200, s31;
	[tilespmem:s18+$0x1C70 ss:$0x41] =	vst.msk $0xffff, v0  }
0x3d: {  	v2 =	vld [tilespmem:s17+$0x20];
	[tilespmem:s18+$0x410 ss:$0x41] =	vst.msk $0xffff, v1  }
0x3e: {  	s16 =	sshrl.u32 s16, $0x2;
	v1 =	vld [tilespmem:s17+$0xFFFFFFC0];
	[tilespmem:s18+$0x820 ss:$0x41] =	vst.msk $0xffff, v5;
	s17 =	sadd.s32 $0x80, s17  }
0x3f: {  	s20 =	simm.s32 $0x4;
	s21 =	simm.s32 $0x8;
	s16 =	sor.u32 $0x4000, s16;
	[tilespmem:s18+$0xC30 ss:$0x41] =	vst.msk $0xffff, v6;
	v0 =	vld [tilespmem:s17+$0x30]  }
.LBB1_3:
0x40: {  	p1 =	sne.s32 s21, $0xFC;
	v5 =	vld [tilespmem:s17+$0xFFFFFFD0];
	[tilespmem:s18+$0x1040 ss:$0x41] =	vst.msk $0xffff, v4  }
0x41: {  	v6 =	vld [tilespmem:s17+$0xFFFFFFE0];
	[tilespmem:s18+$0x1450 ss:$0x41] =	vst.msk $0xffff, v3  }
0x42: {  	s22 =	sshra.s32 s20, $0x2;
	s20 =	smov.u32 s21;
	v7 =	vld [tilespmem:s17+$0xFFFFFFF0];
	[tilespmem:s18+$0x1860 ss:$0x41] =	vst.msk $0xffff, v2  }
.Ltmp3:
0x43: {  	v4 =	vld [tilespmem:s17+$0x0];
	[tilespmem:s18+$0x0 ss:$0x41] =	vst.msk $0xffff, v1;
	s18 =	sadd.s32 s22, s19;
	(pc) =	sbr.rel @p1 .LBB1_3-.Ltmp3, $4  }
0x44: {  	v3 =	vld [tilespmem:s17+$0x10];
	[tilespmem:s18+$0x1C70 ss:$0x41] =	vst.msk $0xffff, v0  }
0x45: {  	[tilespmem:s18+$0x410 ss:$0x41] =	vst.msk $0xffff, v5;
	v2 =	vld [tilespmem:s17+$0x20]  }
0x46: {  	v1 =	vld [tilespmem:s17+$0xFFFFFFC0];
	[tilespmem:s18+$0x820 ss:$0x41] =	vst.msk $0xffff, v6;
	s17 =	sadd.s32 $0x80, s17  }
0x47: {  	s21 =	sadd.s32 $0x4, s21;
	v0 =	vld [tilespmem:s17+$0x30];
	[tilespmem:s18+$0xC30 ss:$0x41] =	vst.msk $0xffff, v7  }
0x48: {  	s21 =	sshll.u32 s9, $0x7;
	s22 =	sshll.u32 s10, $0x3;
	s20 =	sshra.s32 s20, $0x2  }
0x49: {  	p1 =	sgt.s32 s9, $0xF41C0;
	s30 =	sshra.s32 s9, $0x1F;
	s25 =	sshra.s32 s10, $0x1F  }
0x4a: {  	v5 =	vld [tilespmem:s17+$0xFFFFFFD0];
	s28 =	sshrl.u32 s10, $0x3;
	s23 =	sand.u32 $0xFFFFFC00, s21;
	s22 =	sand.u32 $0xFFFFFC00, s22  }
0x4b: {  	[tilespmem:s18+$0x1040 ss:$0x41] =	vst.msk $0xffff, v4;
	v58 =	vld [tilespmem:s17+$0xFFFFFFE0];
	s21 =	sand.u32 $0x380, s21;
	s19 =	sadd.s32 s20, s19;
	s22 =	sadd.s32 s22, s23  }
0x4c: {  	v59 =	vld [tilespmem:s17+$0xFFFFFFF0];
	[tilespmem:s18+$0x1450 ss:$0x41] =	vst.msk $0xffff, v3;
	s29 =	sor.u32 s21, s22;
	s21 =	smov.u32 s9;
	s22 =	sand.u32 s30, s9  }
0x4d: {  	v60 =	vld [tilespmem:s17+$0x0];
	[tilespmem:s18+$0x1860 ss:$0x41] =	vst.msk $0xffff, v2;
	s30 =	sand.u32 $0x7, s10;
	s20 =	sshrl.u32 s29, $0x7;
	s21 =	simm.s32 @!p1 $0xF41C0  }
0x4e: {  	v61 =	vld [tilespmem:s17+$0x10];
	[tilespmem:s18+$0x0 ss:$0x41] =	vst.msk $0xffff, v1;
	p1 =	sgt.s32 s10, $0x40;
	s24 =	ssub.s32 s21, s22;
	s21 =	smov.u32 s10  }
0x4f: {  	v62 =	vld [tilespmem:s17+$0x20];
	[tilespmem:s19+$0x1C70 ss:$0x41] =	vst.msk $0xffff, v0;
	s31 =	smulhi.u32 $0x218DEF5, s20;
	s22 =	sand.u32 s25, s10;
	s21 =	simm.s32 @!p1 $0x40  }
0x50: {  	v63 =	vld [tilespmem:s17+$0xFFFFFFC0];
	[tilespmem:s19+$0x410 ss:$0x41] =	vst.msk $0xffff, v5;
	s26 =	sadd.s32 $0xFFF0BE40, s24;
	s17 =	ssub.s32 $0xF4240, s24;
	s21 =	ssub.s32 s21, s22  }
0x51: {  	[tilespmem:s19+$0x820 ss:$0x41] =	vst.msk $0xffff, v58;
	s23 =	sshrl.u32 s31, $0xD;
	p1 =	sgt.s32 s26, $0x7F;
	s27 =	sadd.s32 $0xFFFFFFC0, s21  }
0x52: {  	[tilespmem:s19+$0xC30 ss:$0x41] =	vst.msk $0xffff, v59;
	s23 =	smul.u32 $0xF4240, s23;
	s18 =	ssub.s32 $0x80, s21;
	p2 =	sgt.s32 s27, $0x3F  }
.Ltmp4:
0x53: {  	[tilespmem:s19+$0x1040 ss:$0x41] =	vst.msk $0xffff, v60;
	s17 =	simm.s32 @p1 $0x0;
	s18 =	simm.s32 @p2 $0x0;
	(pc) =	sbr.rel .LBB1_5-.Ltmp4, $4  }
0x54: {  	s29 =	sand.u32 $0xF, s28;
	[tilespmem:s19+$0x1450 ss:$0x41] =	vst.msk $0xffff, v61;
	s20 =	ssub.s32 s20, s23;
	s17 =	smul.u32 s18, s17  }
0x55: {  	[tilespmem:s19+$0x1860 ss:$0x41] =	vst.msk $0xffff, v62;
	s21 =	sshll.u32 s30, $0x12;
	s20 =	sshll.u32 s20, $0x4;
	s18 =	sadd.s32 s5, s29  }
0x56: {  	[tilespmem:s19+$0x0 ss:$0x41] =	vst.msk $0xffff, v63;
	s31 =	sor.u32 $0x40, s21;
	s18 =	sadd.s32 s20, s18;
	s17 =	sand.u32 $0x3FFFFFFF, s17  }
0x57: {  	[hbm4b:s18+s31] =	stream.strided.scatter [tilespmem:s16], [sflag:$0x2], s17, s8, s31, $0x18;
	[tilespmem:$0x8100] =	vst v63  }
.LBB1_6:
0x58: {  	_ =	sfence.sel $0x180000  }
0x59: {  	s2 =	simm.s32 $0x1;
	[bflag:$0x0] =	sbarrier.arrive $0xFFFF  }
0x5a: {  	s31 =	simm.s32 $0x2;
	[sflag:s2] =	ssyncpa.u1 $0x1  }
0x5b: {  	[sflag:s31] =	ssyncpa.u1 $0x1  }
0x5c: {  	p0 =	sne.s32 s1, $0x0;
	_ =	strace $0x90000047  }
0x5d: {  	s0 =	sadd.s32 @!p0 $0x100000, s0;
	[bflag:$0x2] =	sbarrier.arrive $0xFFFF  }
0x5e: {  	[sflag:s0] =	ssyncadd.tile.s32 @!p0 $0x1;
	_ =	shalt  }
.Lfunc_end1:
_tile_overlayer_lowered:
.L_overlay_start_2:
0x5f: {  	(tag) =	ssettag $0x2  }
0x60: {  	s0 =	rddreg [dreg:$0x0];
	s2 =	stileid.u32  }
0x61: {  	s1 =	rddreg [dreg:$0x1];
	p0 =	sne.s32 s2, $0x0  }
0x62: {  	s3 =	rddreg [dreg:$0x2];
	[bflag:$0x3] =	sbarrier.arrive $0xFFFF;
	s2 =	simm.s32 @!p0 $0x1C01  }
0x63: {  	[timem:s3], [sflag:s2] =	dma.local @!p0 [hbm:s0], s1  }
0x64: {  	s0 =	simm.s32 @!p0 $0x1  }
0x65: {  	_ =	swait.ge @!p0 [sflag:s0], s1  }
0x66: {  	s1 =	ssub.s32 @!p0 $0x0, s1;
	[sflag:s0] =	ssyncset.done @!p0 $0x0  }
0x67: {  	[sflag:s0] =	ssyncadd.s32 @!p0 s1  }
0x68: {  	[bflag:$0x3] =	sbarrier.arrive $0xFFFF  }
0x69: {  	_ =	shalt  }

// kernel: sparse-core-data-format-call.cloned.1.call-start
scs
called_computation_lowered:
.L_overlay_start_0:
0x0: {  	s2 =	sld [smem:$0x3FD9]  }
0x1: {  	s3 =	sld [smem:$0x3FFE];
	_ =	sdelay $0x1  }
0x2: {  	s1 =	srdreg.scid  }
0x3: {  	s0 =	sand.u32 $0x1, s1  }
0x4: {  	s18 =	sshll.u32 s0, $0xA;
	s2 =	sadd.s32 s3, s2  }
0x5: {  	s2 =	sadd.s32 s2, s18  }
0x6: {  	[smem:$0x3FC4] =	sst s2  }
0x7: {  	_ = 	snop  }
0x8: {  	s19 =	sld [smem:$0x3FC6];
	(tm) =	ssettm $0x1  }
0x9: {  	s20 =	sld [smem:$0x3FFB];
	_ =	sdelay $0x3  }
0xa: {  	_ =	strace s20  }
0xb: {  	s2 =	sld [smem:$0x3FFC];
	_ =	sdelay $0x3  }
0xc: {  	_ =	strace s2  }
0xd: {  	s2 =	sld [smem:$0x3FFD];
	_ =	sdelay $0x3  }
0xe: {  	_ =	strace s2  }
0xf: {  	_ =	strace $0x8FFFFFFF  }
0x10: {  	s21 =	sld [smem:$0x3FDB];
	_ =	sdelay $0x1  }
0x11: {  	s4 =	simm.s32 $_scs_section_size  }
0x12: {  	s5 =	simm.s32 $_size__tile_overlayer_lowered;
	s6 =	simm.s32 $_tile_overlayer_lowered  }
0x13: {  	s7 =	simm.s32 $0x1BFF;
	s22 =	sshll.u32 s6, $0x1;
	s4 =	sadd.s32 s4, s21  }
0x14: {  	s23 =	simm.s32 $0x0;
	s5 =	sshll.u32 s5, $0x1;
	s6 =	sadd.s32 s22, s4  }
0x15: {  	[timem:s23], [sflag:s7] =	dma.local [hbm:s6], s5  }
0x16: {  	_ =	swait.ge [sflag:s7], s5  }
0x17: {  	s5 =	ssub.s32 $0x0, s5;
	[sflag:s7] =	ssyncset.done $0x0  }
0x18: {  	[sflag:s7] =	ssyncadd.s32 s5;
	_ =	sdelay $0x1  }
0x19: {  	s24 =	simm.s32 $0x1B8B  }
0x1a: {  	_ =	swait.ge [sflag:s24], $0x1  }
0x1b: {  	[sflag:s24] =	ssyncset.done $0x0  }
0x1c: {  	[sflag:s24] =	ssyncadd.s32 $0xFFFFFFFF  }
0x1d: {  	s5 =	sld [smem:$0x0]  }
0x1e: {  	s6 =	sand.u32 $0xFFFFFFFE, s1  }
0x1f: {  	p0 =	sne.s32 s1, s6  }
0x20: {  	s6 =	sshll.u32 @p0 s6, $0xE  }
0x21: {  	s6 =	sadd.s32 @p0 $0x11B8D, s6;
	s7 =	sshll.u32 @p0 s5, $0x11  }
0x22: {  	s6 =	sor.u32 @p0 s7, s6  }
0x23: {  	[sflag:s6] =	ssyncadd.remote.s32 @p0 $0x1;
	_ =	sdelay $0x1  }
0x24: {  	s6 =	simm.s32 @p0 $0x1B8D  }
0x25: {  	_ =	swait.eq @p0 [sflag:s6], $0x1  }
0x26: {  	[sflag:s6] =	ssyncadd.s32 @p0 $0xFFFFFFFF  }
0x27: {  	s7 =	sshll.u32 @!p0 s1, $0xE  }
0x28: {  	s7 =	sor.u32 @!p0 $0x4000, s7;
	s6 =	simm.s32 @!p0 $0x1B8D  }
0x29: {  	s5 =	sshll.u32 @!p0 s5, $0x11;
	s7 =	sadd.s32 @!p0 $0x11B8D, s7;
	_ =	swait.eq @!p0 [sflag:s6], $0x1  }
0x2a: {  	s5 =	sor.u32 @!p0 s5, s7;
	[sflag:s6] =	ssyncadd.s32 @!p0 $0xFFFFFFFF  }
0x2b: {  	s26 =	simm.s32 $0x1B8E;
	s25 =	sld [smem:$0x3FFE];
	[sflag:s5] =	ssyncadd.remote.s32 @!p0 $0x1  }
0x2c: {  	s27 =	simm.s32 $execute0_lowered;
	[smem:$0x3FD2] =	sst s26  }
0x2d: {  	s6 =	sshll.u32 s27, $0x1;
	_ =	strace $0x80000049;
	[dreg:$0x1] =	wrdreg $0xFFFFFFFF  }
0x2e: {  	s28 =	simm.s32 $_size_execute0_lowered;
	s4 =	sadd.s32 s4, s6;
	[dreg:$0x0] =	wrdreg $0x0  }
0x2f: {  	s6 =	sshll.u32 s28, $0x1;
	[dreg:$0x2] =	wrdreg s4  }
0x30: {  	[dreg:$0x3] =	wrdreg s6  }
0x31: {  	[dreg:$0x4] =	wrdreg $0xC0  }
0x32: {  	_ =	task [dreg:s23], $0x5FFFF  }
0x33: {  	[dreg:$0x1] =	wrdreg $0xFFFFFFFF  }
0x34: {  	[dreg:$0x0] =	wrdreg $0x60  }
0x35: {  	[dreg:$0x2] =	wrdreg s19  }
0x36: {  	[dreg:$0x3] =	wrdreg s25  }
0x37: {  	[dreg:$0x4] =	wrdreg $0x9  }
0x38: {  	_ =	task.clear_ibuf [dreg:s23], $0x5FFFF;
	_ =	strace $0x90000049  }
0x39: {  	s29 =	simm.s32 $0x9;
	_ =	strace $0x8000004B  }
0x3a: {  	_ =	swait.ge [sflag:s29], $0x1  }
0x3b: {  	[sflag:s29] =	ssyncadd.s32 $0xFFFFFFFF  }
0x3c: {  	_ =	strace $0x9000004B  }
0x3d: {  	_ =	sfence  }
0x3e: {  	s30 =	sld [smem:$0x0];
	_ =	sdelay $0x2  }
0x3f: {  	s31 =	sshll.u32 s1, $0xD;
	s1 =	sshrl.u32 s1, $0x2  }
0x40: {  	s4 =	sand.u32 $0x4000, s31;
	s1 =	sadd.s32 s1, s30  }
0x41: {  	s0 =	sor.u32 s4, s0;
	s1 =	sshll.u32 s1, $0x11  }
0x42: {  	s0 =	sor.u32 s1, s0  }
0x43: {  	s0 =	sadd.s32 $0x8F2B, s0  }
0x44: {  	[sflag:s0] =	ssyncadd.remote.s32 $0x1  }
0x45: {  	_ =	sfence.sel $0xFFFF  }
0x46: {  	[dreg:$0x0] =	wrdreg $0xFFFFFFFF;
	(pc) =	sbr.abs _section_cstart, $3  }
0x47: {  	[dreg:$0x1] =	wrdreg $0xFFFFFFFF  }
0x48: {  	_ =	task.clear_ibuf [dreg:s23], $0x2FFFF;
	_ =	strace $0x9FFFFFFF  }
0x49: {  	(tm) =	ssettm $0x7FFFFFFF  }
tec
execute0_lowered:
.L_overlay_start_1:
0x0: {  	(tag) =	ssettag $0x1  }
0x1: {  	s0 =	srdreg.scid;
	s2 =	rddreg [dreg:$0x0]  }
0x2: {  	s5 =	rddreg [dreg:$0x1];
	s1 =	stileid.u32  }
0x3: {  	s4 =	simm.s32 $0x1;
	s6 =	simm.s32 $0x2;
	s15 =	simm.s32 $0x0  }
0x4: {  	p0 =	por $0x0, $0x0;
	s8 =	simm.s32 $0x80;
	s0 =	sshll.u32 s0, $0x4  }
0x5: {  	s14 =	simm.s32 $0x0;
	s9 =	simm.s32 $0x0;
	s3 =	sand.u32 $0x10, s0  }
.Ltmp0:
0x6: {  	s10 =	simm.s32 $0x0;
	s3 =	sor.u32 s1, s3;
	(pc) =	sbr.rel .LBB1_1-.Ltmp0, $4  }
0x7: {  	s0 =	rddreg [dreg:$0x2];
	_ =	strace $0x8000004A;
	s3 =	sshll.u32 s3, $0x7  }
0x8: {  	s12 =	simm.s32 $0x0;
	[sflag:s4] =	ssyncpa.u1 $0x0;
	s7 =	ssub.s32 $0xF4200, s3  }
0x9: {  	s13 =	simm.s32 $0x0;
	[sflag:s6] =	ssyncpa.u1 $0x0;
	s6 =	sshrl.u32 s7, $0xC  }
0xa: {  	s5 =	sadd.s32 $0xF43800, s5;
	s11 =	smov.u32 s3;
	s7 =	sadd.s32 $0x2, s6  }
.LBB1_5:
0xb: {  	p1 =	slt.u32 s13, $0x2  }
0xc: {  	s17 =	smov.u32 s15;
	p2 =	sgt.s32 @!p1 s15, $0xF41C0;
	s16 =	sshra.s32 @!p1 s15, $0x1F  }
0xd: {  	p3 =	sgt.s32 @!p1 s14, $0x40;
	s18 =	sshra.s32 @!p1 s14, $0x1F;
	p2 =	por !p2, p1  }
0xe: {  	s15 =	sand.u32 @!p1 s16, s15;
	p3 =	por !p3, p1;
	s16 =	smov.u32 s14  }
0xf: {  	s14 =	sand.u32 @!p1 s18, s14;
	s17 =	simm.s32 @p2 $0xF41C0;
	s16 =	simm.s32 @p3 $0x40  }
0x10: {  	s15 =	ssub.s32 @!p1 s17, s15;
	s14 =	ssub.s32 @!p1 s16, s14  }
0x11: {  	s18 =	smov.u32 s12;
	s16 =	sadd.s32 @!p1 $0xFFF0BE40, s15;
	s17 =	sadd.s32 @!p1 $0xFFFFFFC0, s14  }
0x12: {  	s15 =	ssub.s32 @!p1 $0xF4240, s15;
	p2 =	sgt.s32 @!p1 s16, $0x7F;
	p3 =	sgt.s32 @!p1 s17, $0x3F  }
0x13: {  	s14 =	ssub.s32 @!p1 $0x80, s14;
	p2 =	por !p2, p1;
	p3 =	por !p3, p1  }
0x14: {  	s16 =	sadd.s32 $0x1000, s11;
	s15 =	simm.s32 @!p2 $0x0;
	s14 =	simm.s32 @!p3 $0x0  }
0x15: {  	p2 =	sgt.s32 s16, $0xF423F;
	s14 =	smul.u32 @!p1 s14, s15;
	s15 =	sadd.s32 $0x40, s12  }
0x16: {  	s18 =	smov.u32 @p2 s15  }
0x17: {  	s16 =	smov.u32 @p2 s3;
	p2 =	sgt.s32 s18, $0x3F  }
0x18: {  	s18 =	simm.s32 @p2 $0x0;
	p2 =	sne.s32 s13, s7  }
.Ltmp1:
0x19: {  	p0 =	por !p0, !p0;
	s17 =	simm.s32 @!p1 $0x2;
	(pc) =	sbr.rel @!p2 .LBB1_6-.Ltmp1, $4  }
0x1a: {  	s15 =	smov.u32 s9;
	s9 =	smov.u32 s11;
	s14 =	sand.u32 @!p1 $0x3FFFFFFF, s14  }
0x1b: {  	s11 =	smov.u32 s16;
	_ =	swait.ge @!p1 [sflag:s17], s14;
	s19 =	ssub.s32 @!p1 $0x0, s14  }
0x1c: {  	s14 =	smov.u32 s10;
	s13 =	sadd.s32 $0x1, s13;
	[sflag:s17] =	ssyncset.done @!p1 $0x0  }
0x1d: {  	s10 =	smov.u32 s12;
	s12 =	smov.u32 s18;
	[sflag:s17] =	ssyncadd.s32 @!p1 s19  }
.LBB1_1:
0x1e: {  	p1 =	sgt.u32 s13, s6  }
0x1f: {  	s16 =	sshrl.u32 @!p1 s12, $0x3  }
0x20: {  	s17 =	sshll.u32 @!p1 s11, $0x3;
	s16 =	smul.u32 @!p1 $0x7A1400, s16  }
0x21: {  	s18 =	sshll.u32 @!p1 s12, $0x7;
	s17 =	sand.u32 @!p1 $0xFFFFFC00, s17  }
0x22: {  	s16 =	sadd.s32 @!p1 s16, s17;
	s17 =	sand.u32 @!p1 $0x380, s18  }
0x23: {  	s18 =	sand.u32 @!p1 $0x7F, s11;
	s16 =	sor.u32 @!p1 s17, s16  }
0x24: {  	s17 =	sor.u32 @!p1 s18, s16  }
0x25: {  	s18 =	smulhi.u32 @!p1 $0x218D6287, s17;
	_ =	sdelay $0x1  }
0x26: {  	s16 =	smulhi.u32 @!p1 $0x218D6287, s16;
	s18 =	sshrl.u32 @!p1 s18, $0x11  }
0x27: {  	s18 =	smul.u32 @!p1 $0xF4280, s18  }
0x28: {  	s19 =	sxor.u32 @!p1 $0xFFFFFFFF, s13;
	s16 =	sshrl.u32 @!p1 s16, $0x11  }
0x29: {  	s19 =	sshll.u32 @!p1 s19, $0xD;
	s16 =	sand.u32 @!p1 $0x3F, s16;
	s17 =	ssub.s32 @!p1 s17, s18  }
0x2a: {  	s16 =	smul.u32 @!p1 $0x1E850, s16;
	s18 =	sshrl.u32 @!p1 s17, $0x3;
	s17 =	sand.u32 @!p1 $0x7, s17  }
0x2b: {  	s19 =	sand.u32 @!p1 $0x2000, s19;
	s18 =	sadd.s32 @!p1 s2, s18;
	s17 =	sshll.u32 @!p1 s17, $0x12  }
0x2c: {  	s16 =	sadd.s32 @!p1 s16, s18;
	s17 =	sor.u32 @!p1 $0x400, s17;
	s18 =	simm.s32 @!p1 $0x7A1400  }
0x2d: {  	[tilespmem:s19], [sflag:$0x1] =	stream.strided.gather @!p1 [hbm4b:s16+s17], $0x2000, s18, s17, $0x38;
	[tilespmem:$0x8100] =	vst v63  }
0x2e: {  	p1 =	seq.s32 s13, $0x0  }
0x2f: {  	p2 =	sge.u32 @!p1 s13, s7  }
0x30: {  	p1 =	por p1, p2  }
.Ltmp2:
0x31: {  	_ = 	snop;
	(pc) =	sbr.rel @p1 .LBB1_5-.Ltmp2, $1  }
0x32: {  	_ =	sdelay $0x3  }
0x33: {  	s16 =	simm.s32 $0x1  }
0x34: {  	_ =	swait.ge [sflag:s4], $0x2000;
	s16 =	simm.s32 @!p0 $0x0  }
0x35: {  	[sflag:s4] =	ssyncset.done $0x0;
	s17 =	sshll.u32 s16, $0xD  }
0x36: {  	[sflag:s4] =	ssyncadd.s32 $0xFFFFE000;
	s17 =	sor.u32 $0x40, s17  }
0x37: {  	s16 =	smul.u32 $0x8200, s16;
	v0 =	vld [tilespmem:s17+$0x30]  }
0x38: {  	v1 =	vld [tilespmem:s17+$0xFFFFFFD0]  }
0x39: {  	s16 =	sshrl.u32 s16, $0x2;
	v5 =	vld [tilespmem:s17+$0xFFFFFFE0]  }
0x3a: {  	v6 =	vld [tilespmem:s17+$0xFFFFFFF0];
	s19 =	sor.u32 $0x4000, s16  }
0x3b: {  	s31 =	sand.u32 $0x1, s13;
	v4 =	vld [tilespmem:s17+$0x0];
	s18 =	sadd.s32 $0x0, s19  }
0x3c: {  	v3 =	vld [tilespmem:s17+$0x10];
	s16 =	smul.u32 $0x8200, s31;
	[tilespmem:s18+$0x1C70 ss:$0x41] =	vst.msk $0xffff, v0  }
0x3d: {  	v2 =	vld [tilespmem:s17+$0x20];
	[tilespmem:s18+$0x410 ss:$0x41] =	vst.msk $0xffff, v1  }
0x3e: {  	s16 =	sshrl.u32 s16, $0x2;
	v1 =	vld [tilespmem:s17+$0xFFFFFFC0];
	[tilespmem:s18+$0x820 ss:$0x41] =	vst.msk $0xffff, v5;
	s17 =	sadd.s32 $0x80, s17  }
0x3f: {  	s20 =	simm.s32 $0x4;
	s21 =	simm.s32 $0x8;
	s16 =	sor.u32 $0x4000, s16;
	[tilespmem:s18+$0xC30 ss:$0x41] =	vst.msk $0xffff, v6;
	v0 =	vld [tilespmem:s17+$0x30]  }
.LBB1_3:
0x40: {  	p1 =	sne.s32 s21, $0xFC;
	v5 =	vld [tilespmem:s17+$0xFFFFFFD0];
	[tilespmem:s18+$0x1040 ss:$0x41] =	vst.msk $0xffff, v4  }
0x41: {  	v6 =	vld [tilespmem:s17+$0xFFFFFFE0];
	[tilespmem:s18+$0x1450 ss:$0x41] =	vst.msk $0xffff, v3  }
0x42: {  	s22 =	sshra.s32 s20, $0x2;
	s20 =	smov.u32 s21;
	v7 =	vld [tilespmem:s17+$0xFFFFFFF0];
	[tilespmem:s18+$0x1860 ss:$0x41] =	vst.msk $0xffff, v2  }
.Ltmp3:
0x43: {  	v4 =	vld [tilespmem:s17+$0x0];
	[tilespmem:s18+$0x0 ss:$0x41] =	vst.msk $0xffff, v1;
	s18 =	sadd.s32 s22, s19;
	(pc) =	sbr.rel @p1 .LBB1_3-.Ltmp3, $4  }
0x44: {  	v3 =	vld [tilespmem:s17+$0x10];
	[tilespmem:s18+$0x1C70 ss:$0x41] =	vst.msk $0xffff, v0  }
0x45: {  	[tilespmem:s18+$0x410 ss:$0x41] =	vst.msk $0xffff, v5;
	v2 =	vld [tilespmem:s17+$0x20]  }
0x46: {  	v1 =	vld [tilespmem:s17+$0xFFFFFFC0];
	[tilespmem:s18+$0x820 ss:$0x41] =	vst.msk $0xffff, v6;
	s17 =	sadd.s32 $0x80, s17  }
0x47: {  	s21 =	sadd.s32 $0x4, s21;
	v0 =	vld [tilespmem:s17+$0x30];
	[tilespmem:s18+$0xC30 ss:$0x41] =	vst.msk $0xffff, v7  }
0x48: {  	s21 =	sshll.u32 s9, $0x7;
	s22 =	sshll.u32 s10, $0x3;
	s20 =	sshra.s32 s20, $0x2  }
0x49: {  	p1 =	sgt.s32 s9, $0xF41C0;
	s30 =	sshra.s32 s9, $0x1F;
	s25 =	sshra.s32 s10, $0x1F  }
0x4a: {  	v5 =	vld [tilespmem:s17+$0xFFFFFFD0];
	s28 =	sshrl.u32 s10, $0x3;
	s23 =	sand.u32 $0xFFFFFC00, s21;
	s22 =	sand.u32 $0xFFFFFC00, s22  }
0x4b: {  	[tilespmem:s18+$0x1040 ss:$0x41] =	vst.msk $0xffff, v4;
	v58 =	vld [tilespmem:s17+$0xFFFFFFE0];
	s21 =	sand.u32 $0x380, s21;
	s19 =	sadd.s32 s20, s19;
	s22 =	sadd.s32 s22, s23  }
0x4c: {  	v59 =	vld [tilespmem:s17+$0xFFFFFFF0];
	[tilespmem:s18+$0x1450 ss:$0x41] =	vst.msk $0xffff, v3;
	s29 =	sor.u32 s21, s22;
	s21 =	smov.u32 s9;
	s22 =	sand.u32 s30, s9  }
0x4d: {  	v60 =	vld [tilespmem:s17+$0x0];
	[tilespmem:s18+$0x1860 ss:$0x41] =	vst.msk $0xffff, v2;
	s30 =	sand.u32 $0x7, s10;
	s20 =	sshrl.u32 s29, $0x7;
	s21 =	simm.s32 @!p1 $0xF41C0  }
0x4e: {  	v61 =	vld [tilespmem:s17+$0x10];
	[tilespmem:s18+$0x0 ss:$0x41] =	vst.msk $0xffff, v1;
	p1 =	sgt.s32 s10, $0x40;
	s24 =	ssub.s32 s21, s22;
	s21 =	smov.u32 s10  }
0x4f: {  	v62 =	vld [tilespmem:s17+$0x20];
	[tilespmem:s19+$0x1C70 ss:$0x41] =	vst.msk $0xffff, v0;
	s31 =	smulhi.u32 $0x218DEF5, s20;
	s22 =	sand.u32 s25, s10;
	s21 =	simm.s32 @!p1 $0x40  }
0x50: {  	v63 =	vld [tilespmem:s17+$0xFFFFFFC0];
	[tilespmem:s19+$0x410 ss:$0x41] =	vst.msk $0xffff, v5;
	s26 =	sadd.s32 $0xFFF0BE40, s24;
	s17 =	ssub.s32 $0xF4240, s24;
	s21 =	ssub.s32 s21, s22  }
0x51: {  	[tilespmem:s19+$0x820 ss:$0x41] =	vst.msk $0xffff, v58;
	s23 =	sshrl.u32 s31, $0xD;
	p1 =	sgt.s32 s26, $0x7F;
	s27 =	sadd.s32 $0xFFFFFFC0, s21  }
0x52: {  	[tilespmem:s19+$0xC30 ss:$0x41] =	vst.msk $0xffff, v59;
	s23 =	smul.u32 $0xF4240, s23;
	s18 =	ssub.s32 $0x80, s21;
	p2 =	sgt.s32 s27, $0x3F  }
.Ltmp4:
0x53: {  	[tilespmem:s19+$0x1040 ss:$0x41] =	vst.msk $0xffff, v60;
	s17 =	simm.s32 @p1 $0x0;
	s18 =	simm.s32 @p2 $0x0;
	(pc) =	sbr.rel .LBB1_5-.Ltmp4, $4  }
0x54: {  	s29 =	sand.u32 $0xF, s28;
	[tilespmem:s19+$0x1450 ss:$0x41] =	vst.msk $0xffff, v61;
	s20 =	ssub.s32 s20, s23;
	s17 =	smul.u32 s18, s17  }
0x55: {  	[tilespmem:s19+$0x1860 ss:$0x41] =	vst.msk $0xffff, v62;
	s21 =	sshll.u32 s30, $0x12;
	s20 =	sshll.u32 s20, $0x4;
	s18 =	sadd.s32 s5, s29  }
0x56: {  	[tilespmem:s19+$0x0 ss:$0x41] =	vst.msk $0xffff, v63;
	s31 =	sor.u32 $0x40, s21;
	s18 =	sadd.s32 s20, s18;
	s17 =	sand.u32 $0x3FFFFFFF, s17  }
0x57: {  	[hbm4b:s18+s31] =	stream.strided.scatter [tilespmem:s16], [sflag:$0x2], s17, s8, s31, $0x18;
	[tilespmem:$0x8100] =	vst v63  }
.LBB1_6:
0x58: {  	_ =	sfence.sel $0x180000  }
0x59: {  	s2 =	simm.s32 $0x1;
	[bflag:$0x0] =	sbarrier.arrive $0xFFFF  }
0x5a: {  	s31 =	simm.s32 $0x2;
	[sflag:s2] =	ssyncpa.u1 $0x1  }
0x5b: {  	[sflag:s31] =	ssyncpa.u1 $0x1  }
0x5c: {  	p0 =	sne.s32 s1, $0x0;
	_ =	strace $0x9000004A  }
0x5d: {  	s0 =	sadd.s32 @!p0 $0x100000, s0;
	[bflag:$0x2] =	sbarrier.arrive $0xFFFF  }
0x5e: {  	[sflag:s0] =	ssyncadd.tile.s32 @!p0 $0x1;
	_ =	shalt  }
.Lfunc_end1:
_tile_overlayer_lowered:
.L_overlay_start_2:
0x5f: {  	(tag) =	ssettag $0x2  }
0x60: {  	s0 =	rddreg [dreg:$0x0];
	s2 =	stileid.u32  }
0x61: {  	s1 =	rddreg [dreg:$0x1];
	p0 =	sne.s32 s2, $0x0  }
0x62: {  	s3 =	rddreg [dreg:$0x2];
	[bflag:$0x3] =	sbarrier.arrive $0xFFFF;
	s2 =	simm.s32 @!p0 $0x1C01  }
0x63: {  	[timem:s3], [sflag:s2] =	dma.local @!p0 [hbm:s0], s1  }
0x64: {  	s0 =	simm.s32 @!p0 $0x1  }
0x65: {  	_ =	swait.ge @!p0 [sflag:s0], s1  }
0x66: {  	s1 =	ssub.s32 @!p0 $0x0, s1;
	[sflag:s0] =	ssyncset.done @!p0 $0x0  }
0x67: {  	[sflag:s0] =	ssyncadd.s32 @!p0 s1  }
0x68: {  	[bflag:$0x3] =	sbarrier.arrive $0xFFFF  }
0x69: {  	_ =	shalt  }

</sc_bundles>
